<compile_context>
chip_gen: v7x
topology: tpu7x:2x2x1
jax: 0.10.2.dev20260603
libtpu: 0.0.44.dev20260713+nightly
codegen_flags: <defaults>
</compile_context>

<pallas_src>
import functools

import jax
import jax.numpy as jnp
from jax import lax
from jax.experimental import pallas as pl
from jax.experimental.pallas import tpu as pltpu
from jax.experimental.pallas import tpu_sc as plsc

_L = 16
_NC = 2
_NS = 16
_NW = _NC * _NS

_ITERS = 12
_NEG = -3e38


@functools.lru_cache(maxsize=None)
def _build(n_rows, n_cols):
  assert n_rows % _NW == 0 and n_cols % _L == 0
  rows_per_w = n_rows // _NW
  ntiles = n_cols // _L
  mesh = plsc.VectorSubcoreMesh(core_axis_name="c", subcore_axis_name="s")

  @functools.partial(
      pl.kernel,
      out_type=jax.ShapeDtypeStruct((n_rows, n_cols), jnp.float32),
      mesh=mesh,
      compiler_params=pltpu.CompilerParams(needs_layout_passes=False),
      scratch_types=[
          pltpu.VMEM((n_cols,), jnp.float32),
          pltpu.VMEM((n_cols,), jnp.float32),
          pltpu.VMEM((n_cols,), jnp.float32),
          pltpu.SemaphoreType.DMA,
          pltpu.SemaphoreType.DMA,
          pltpu.SemaphoreType.DMA,
          pltpu.SemaphoreType.DMA,
      ],
  )
  def sparsemax_kernel(x_hbm, out_hbm, row_a, row_b, cand_v,
                       isem_a, isem_b, osem_a, osem_b):
    wid = lax.axis_index("s") * _NC + lax.axis_index("c")
    base = wid * rows_per_w
    bufs = (row_a, row_b)
    isems = (isem_a, isem_b)
    osems = (osem_a, osem_b)

    def in_cp(r, b):
      return pltpu.make_async_copy(x_hbm.at[base + r], bufs[b], isems[b])

    def out_cp(r, b):
      return pltpu.make_async_copy(bufs[b], out_hbm.at[base + r], osems[b])

    def do_row(row_v):
      @plsc.parallel_loop(0, n_cols, step=_L, unroll=8,
                          carry=jnp.full((_L,), _NEG, jnp.float32))
      def acc(i, a):
        return jnp.maximum(a, row_v[pl.ds(i, _L)])
      m = jnp.max(acc)
      t0 = m - 1.0

      iota = lax.iota(jnp.int32, _L)

      @plsc.parallel_loop(0, n_cols, step=_L, unroll=8,
                          carry=jnp.zeros((_L,), jnp.int32))
      def cnt16(i, c):
        v = row_v[pl.ds(i, _L)]
        msk = v > t0
        plsc.store_scatter(cand_v, [c | iota], v, mask=msk)
        return c + jnp.where(msk, _L, 0)
      ctiles = jnp.max(cnt16) // _L

      def pad_body(s, carry2):
        plsc.store_scatter(cand_v, [s * _L + iota],
                           jnp.full((_L,), _NEG, jnp.float32),
                           mask=cnt16 <= s * _L)
        return carry2
      lax.fori_loop(0, ctiles, pad_body, 0)

      def newton(it, st):
        tau, lo, hi, best = st
        def acc_body(i, sc):
          s16, c16 = sc
          d = cand_v[pl.ds(i * _L, _L)] - tau
          msk = d > 0.0
          return (s16 + jnp.maximum(d, 0.0), c16 + jnp.where(msk, 1.0, 0.0))
        s16, c16 = lax.fori_loop(
            0, ctiles, acc_body,
            (jnp.zeros((_L,), jnp.float32), jnp.zeros((_L,), jnp.float32)))
        f = jnp.full((_L,), jnp.sum(s16) - 1.0, jnp.float32)
        c = jnp.full((_L,), jnp.maximum(jnp.sum(c16), 1.0), jnp.float32)
        nt = tau + f / c
        left = f >= 0.0
        lo = jnp.where(left, tau, lo)
        hi = jnp.where(left, hi, tau)
        best = jnp.where(left, nt, best)
        mid = 0.5 * (lo + hi)
        good = (nt > lo) & (nt < hi)
        return (jnp.where(good, nt, mid), lo, hi, best)

      t0v = jnp.full((_L,), t0, jnp.float32)
      mv = jnp.full((_L,), m, jnp.float32)
      tau = lax.fori_loop(0, _ITERS, newton, (t0v, t0v, mv, t0v))[3]

      @plsc.parallel_loop(0, n_cols, step=_L, unroll=8)
      def _(i):
        sl = pl.ds(i, _L)
        row_v[sl] = jnp.maximum(row_v[sl] - tau, 0.0)

    in_cp(0, 0).start()
    for r in range(rows_per_w):
      b = r % 2
      if r + 1 < rows_per_w:
        if r >= 1:
          out_cp(r - 1, 1 - b).wait()
        in_cp(r + 1, 1 - b).start()
      in_cp(r, b).wait()
      do_row(bufs[b])
      out_cp(r, b).start()
    if rows_per_w >= 2:
      out_cp(rows_per_w - 2, rows_per_w % 2).wait()
    out_cp(rows_per_w - 1, (rows_per_w - 1) % 2).wait()

  return sparsemax_kernel


def kernel(logits):
  n_rows, n_cols = logits.shape
  return _build(n_rows, n_cols)(logits)

# --- scband reference (transcript-rebuilt; emitter-appended) ---
"""Pipeline reference for scband-sparsemax-51917564674410 (READ-ONLY COPY).

The authoritative reference and input builder live on the scoring server;
editing this copy changes nothing except your own understanding.
"""

import jax, jax.numpy as jnp
import numpy as np


def setup_inputs(seed: int = 0) -> dict:
    key = jax.random.key(seed)
    logits = jax.random.normal(key, (128, 32768), dtype=jnp.float32)
    return {"logits": logits}


def reference(logits):
    # z = sort descending along last axis
    z = jnp.flip(jnp.sort(logits, axis=-1), axis=-1)
    n = logits.shape[-1]
    k_values = 1.0 + jnp.arange(n, dtype=logits.dtype)
    k_values = jnp.expand_dims(k_values, axis=0)
    z_sum = jnp.cumsum(z, axis=-1)
    comparison = z - 1.0 / k_values * (z_sum - 1.0)
    mask = (comparison > 0).astype(logits.dtype)
    num_active = jnp.sum(mask, axis=-1, keepdims=True)
    tau = (jnp.sum(z * mask, axis=-1, keepdims=True) - 1.0) / num_active
    return jnp.maximum(logits - tau, 0.0)

if __name__ == "__main__":
    import jax
    _d = setup_inputs()
    print(jax.jit(kernel)(*tuple(_d.values())))

</pallas_src>

<mosaic_0001>
#map = affine_map<(d0, d1) -> (0, 0)>
module attributes {stable_mosaic.version = 14 : i64} {
  func.func @sparsemax_kernel(%arg0: i32, %arg1: i32, %arg2: memref<128x32768xf32, #tpu.memory_space<hbm>>, %arg3: memref<128x32768xf32, #tpu.memory_space<hbm>>, %arg4: memref<32768xf32, #tpu.memory_space<vmem>>, %arg5: memref<32768xf32, #tpu.memory_space<vmem>>, %arg6: memref<32768xf32, #tpu.memory_space<vmem>>, %arg7: memref<!tpu.dma_semaphore, #tpu.memory_space<semaphore_mem>>, %arg8: memref<!tpu.dma_semaphore, #tpu.memory_space<semaphore_mem>>, %arg9: memref<!tpu.dma_semaphore, #tpu.memory_space<semaphore_mem>>, %arg10: memref<!tpu.dma_semaphore, #tpu.memory_space<semaphore_mem>>) attributes {dimension_semantics = [#tpu.dimension_semantics<core_parallel>, #tpu.dimension_semantics<subcore_parallel>], iteration_bounds = array<i64: 2, 16>, scalar_prefetch = 0 : i64, scratch_operands = 7 : i64, tpu.core_type = #tpu.core_type<sc_vector_subcore>, window_params = [{transform_indices = #map}, {transform_indices = #map}]} {
    %mul3A = arith.constant 2 : i32
    %mul3A_0 = arith.muli %arg1, %mul3A : i32
    %add3A = arith.addi %mul3A_0, %arg0 : i32
    %mul3A_1 = arith.constant 4 : i32
    %mul3A_2 = arith.muli %add3A, %mul3A_1 : i32
    %add3A_3 = arith.constant 0 : i32
    %add3A_4 = arith.addi %mul3A_2, %add3A_3 : i32
    %dma_start3A = arith.constant 0 : i32
    %dma_start3A_5 = tpu.memref_slice %arg2[%add3A_4, %dma_start3A] : memref<128x32768xf32, #tpu.memory_space<hbm>> -> memref<1x32768xf32, #tpu.memory_space<hbm>>
    %dma_start3A_6 = tpu.memref_squeeze %dma_start3A_5 : memref<1x32768xf32, #tpu.memory_space<hbm>> -> memref<32768xf32, #tpu.memory_space<hbm>>
    %dma_start3A_7 = arith.constant 0 : i32
    %dma_start3A_8 = tpu.memref_slice %arg2[%add3A_4, %dma_start3A_7] : memref<128x32768xf32, #tpu.memory_space<hbm>> -> memref<1x32768xf32, #tpu.memory_space<hbm>>
    %dma_start3A_9 = tpu.memref_squeeze %dma_start3A_8 : memref<1x32768xf32, #tpu.memory_space<hbm>> -> memref<32768xf32, #tpu.memory_space<hbm>>
    tpu.enqueue_dma source(%dma_start3A_9 : memref<32768xf32, #tpu.memory_space<hbm>>) target(%arg4 : memref<32768xf32, #tpu.memory_space<vmem>>) target_semaphore(%arg7 : memref<!tpu.dma_semaphore, #tpu.memory_space<semaphore_mem>>)
    %add3A_10 = arith.constant 1 : i32
    %add3A_11 = arith.addi %mul3A_2, %add3A_10 : i32
    %dma_start3A_12 = arith.constant 0 : i32
    %dma_start3A_13 = tpu.memref_slice %arg2[%add3A_11, %dma_start3A_12] : memref<128x32768xf32, #tpu.memory_space<hbm>> -> memref<1x32768xf32, #tpu.memory_space<hbm>>
    %dma_start3A_14 = tpu.memref_squeeze %dma_start3A_13 : memref<1x32768xf32, #tpu.memory_space<hbm>> -> memref<32768xf32, #tpu.memory_space<hbm>>
    %dma_start3A_15 = arith.constant 0 : i32
    %dma_start3A_16 = tpu.memref_slice %arg2[%add3A_11, %dma_start3A_15] : memref<128x32768xf32, #tpu.memory_space<hbm>> -> memref<1x32768xf32, #tpu.memory_space<hbm>>
    %dma_start3A_17 = tpu.memref_squeeze %dma_start3A_16 : memref<1x32768xf32, #tpu.memory_space<hbm>> -> memref<32768xf32, #tpu.memory_space<hbm>>
    tpu.enqueue_dma source(%dma_start3A_17 : memref<32768xf32, #tpu.memory_space<hbm>>) target(%arg5 : memref<32768xf32, #tpu.memory_space<vmem>>) target_semaphore(%arg8 : memref<!tpu.dma_semaphore, #tpu.memory_space<semaphore_mem>>)
    %add3A_18 = arith.constant 0 : i32
    %add3A_19 = arith.addi %mul3A_2, %add3A_18 : i32
    %dma_wait3A = arith.constant 0 : i32
    %dma_wait3A_20 = tpu.memref_slice %arg2[%add3A_19, %dma_wait3A] : memref<128x32768xf32, #tpu.memory_space<hbm>> -> memref<1x32768xf32, #tpu.memory_space<hbm>>
    %dma_wait3A_21 = tpu.memref_squeeze %dma_wait3A_20 : memref<1x32768xf32, #tpu.memory_space<hbm>> -> memref<32768xf32, #tpu.memory_space<hbm>>
    %dma_wait3A_22 = arith.constant 0 : i32
    %dma_wait3A_23 = tpu.memref_slice %arg2[%add3A_19, %dma_wait3A_22] : memref<128x32768xf32, #tpu.memory_space<hbm>> -> memref<1x32768xf32, #tpu.memory_space<hbm>>
    %dma_wait3A_24 = tpu.memref_squeeze %dma_wait3A_23 : memref<1x32768xf32, #tpu.memory_space<hbm>> -> memref<32768xf32, #tpu.memory_space<hbm>>
    tpu.wait_dma2 semaphore(%arg7 : memref<!tpu.dma_semaphore, #tpu.memory_space<semaphore_mem>>) src(%dma_wait3A_24 : memref<32768xf32, #tpu.memory_space<hbm>>) dst(%arg4 : memref<32768xf32, #tpu.memory_space<vmem>>)
    %broadcast_in_dim3A = arith.constant -3.000000e+38 : f32
    %broadcast_in_dim3A_25 = vector.broadcast %broadcast_in_dim3A : f32 to vector<16xf32>
    %parallel_loop3A = arith.constant 0 : i32
    %parallel_loop3A_26 = arith.constant 32768 : i32
    %parallel_loop3A_27 = arith.constant 16 : i32
    %parallel_loop3A_28 = scf.for %parallel_loop3A_403 = %parallel_loop3A to %parallel_loop3A_26 step %parallel_loop3A_27 iter_args(%parallel_loop3A_404 = %broadcast_in_dim3A_25) -> (vector<16xf32>)  : i32 {
      %parallel_loop3A_405 = arith.index_cast %parallel_loop3A_403 : i32 to index
      %parallel_loop3A_406 = tpu.vector_load %arg4[%parallel_loop3A_405] {strides = array<i32>} : memref<32768xf32, #tpu.memory_space<vmem>>, vector<16xf32>,
      %parallel_loop3A_407 = arith.maximumf %parallel_loop3A_404, %parallel_loop3A_406 : vector<16xf32>
      scf.yield %parallel_loop3A_407 : vector<16xf32>
    } {sc.loop_unroll_factor = 8 : i64, sc.parallel_access}
    %reduce_max3A = arith.constant true
    %reduce_max3A_29 = vector.broadcast %reduce_max3A : i1 to vector<16xi1>
    %reduce_max3A_30 = tpu.scan <max>, %parallel_loop3A_28 masked %reduce_max3A_29 : vector<16xf32>, vector<16xi1> -> vector<16xf32>
    %reduce_max3A_31 = vector.extract %reduce_max3A_30[15] : f32 from vector<16xf32>
    %sub3A = arith.constant 1.000000e+00 : f32
    %sub3A_32 = arith.subf %reduce_max3A_31, %sub3A : f32
    %iota3A = tpu.iota {dimensions = array<i32: 0>} : vector<16xi32>
    %broadcast_in_dim3A_33 = arith.constant 0 : i32
    %broadcast_in_dim3A_34 = vector.broadcast %broadcast_in_dim3A_33 : i32 to vector<16xi32>
    %parallel_loop3A_35 = arith.constant 0 : i32
    %parallel_loop3A_36 = arith.constant 32768 : i32
    %parallel_loop3A_37 = arith.constant 16 : i32
    %parallel_loop3A_38 = scf.for %parallel_loop3A_403 = %parallel_loop3A_35 to %parallel_loop3A_36 step %parallel_loop3A_37 iter_args(%parallel_loop3A_404 = %broadcast_in_dim3A_34) -> (vector<16xi32>)  : i32 {
      %parallel_loop3A_405 = arith.index_cast %parallel_loop3A_403 : i32 to index
      %parallel_loop3A_406 = tpu.vector_load %arg4[%parallel_loop3A_405] {strides = array<i32>} : memref<32768xf32, #tpu.memory_space<vmem>>, vector<16xf32>,
      %parallel_loop3A_407 = vector.broadcast %sub3A_32 : f32 to vector<16xf32>
      %parallel_loop3A_408 = arith.cmpf ogt, %parallel_loop3A_406, %parallel_loop3A_407 : vector<16xf32>
      %parallel_loop3A_409 = arith.ori %parallel_loop3A_404, %iota3A : vector<16xi32>
      tpu.vector_store_idx %arg6[%parallel_loop3A_409], %parallel_loop3A_406 masked %parallel_loop3A_408 : memref<32768xf32, #tpu.memory_space<vmem>>[vector<16xi32>], vector<16xf32>, vector<16xi1>
      %parallel_loop3A_410 = arith.constant 16 : i32
      %parallel_loop3A_411 = arith.constant 0 : i32
      %parallel_loop3A_412 = vector.broadcast %parallel_loop3A_410 : i32 to vector<16xi32>
      %parallel_loop3A_413 = vector.broadcast %parallel_loop3A_411 : i32 to vector<16xi32>
      %parallel_loop3A_414 = arith.select %parallel_loop3A_408, %parallel_loop3A_412, %parallel_loop3A_413 : vector<16xi1>, vector<16xi32>
      %parallel_loop3A_415 = arith.addi %parallel_loop3A_404, %parallel_loop3A_414 : vector<16xi32>
      scf.yield %parallel_loop3A_415 : vector<16xi32>
    } {sc.loop_unroll_factor = 8 : i64, sc.parallel_access}
    %reduce_max3A_39 = arith.constant true
    %reduce_max3A_40 = vector.broadcast %reduce_max3A_39 : i1 to vector<16xi1>
    %reduce_max3A_41 = arith.constant -2147483648 : i32
    %reduce_max3A_42 = vector.broadcast %reduce_max3A_41 : i32 to vector<16xi32>
    %reduce_max3A_43 = arith.xori %parallel_loop3A_38, %reduce_max3A_42 : vector<16xi32>
    %reduce_max3A_44 = tpu.scan <max>, %reduce_max3A_43 masked %reduce_max3A_40 : vector<16xi32>, vector<16xi1> -> vector<16xi32>
    %reduce_max3A_45 = arith.xori %reduce_max3A_44, %reduce_max3A_42 : vector<16xi32>
    %reduce_max3A_46 = vector.extract %reduce_max3A_45[15] : i32 from vector<16xi32>
    %jit3A = arith.constant 16 : i32
    %div3A = arith.divsi %reduce_max3A_46, %jit3A : i32
    %sign3A = arith.constant 0 : i32
    %sign3A_47 = arith.cmpi sgt, %reduce_max3A_46, %sign3A : i32
    %sign3A_48 = arith.extui %sign3A_47 : i1 to i32
    %sign3A_49 = arith.constant 0 : i32
    %sign3A_50 = arith.cmpi slt, %reduce_max3A_46, %sign3A_49 : i32
    %sign3A_51 = arith.extui %sign3A_50 : i1 to i32
    %sign3A_52 = arith.subi %sign3A_48, %sign3A_51 : i32
    %sign3A_53 = arith.constant 0 : i32
    %sign3A_54 = arith.cmpi sgt, %jit3A, %sign3A_53 : i32
    %sign3A_55 = arith.extui %sign3A_54 : i1 to i32
    %sign3A_56 = arith.constant 0 : i32
    %sign3A_57 = arith.cmpi slt, %jit3A, %sign3A_56 : i32
    %sign3A_58 = arith.extui %sign3A_57 : i1 to i32
    %sign3A_59 = arith.subi %sign3A_55, %sign3A_58 : i32
    %ne3A = arith.cmpi ne, %sign3A_52, %sign3A_59 : i32
    %rem3A = arith.remsi %reduce_max3A_46, %jit3A : i32
    %ne3A_60 = arith.constant 0 : i32
    %ne3A_61 = arith.cmpi ne, %rem3A, %ne3A_60 : i32
    %and3A = arith.andi %ne3A, %ne3A_61 : i1
    %sub3A_62 = arith.constant 1 : i32
    %sub3A_63 = arith.subi %div3A, %sub3A_62 : i32
    %select_n3A = arith.select %and3A, %sub3A_63, %div3A : i32
    %while3A = arith.constant 0 : i32
    %while3A_64 = arith.constant 0 : i32
    %while3A_65 = arith.subi %select_n3A, %while3A_64 : i32
    %while3A_66 = arith.addi %while3A_64, %while3A_65 : i32
    %while3A_67 = arith.constant 1 : i32
    %while3A_68 = arith.divsi %while3A_65, %while3A_67 : i32
    %while3A_69 = arith.muli %while3A_68, %while3A_67 : i32
    %while3A_70 = arith.addi %while3A_64, %while3A_69 : i32
    %while3A_71 = arith.constant 1 : i32
    scf.for %while3A_403 = %while3A_64 to %while3A_70 step %while3A_71  : i32 {
      %mul3A_404 = arith.constant 16 : i32
      %mul3A_405 = arith.muli %while3A_403, %mul3A_404 : i32
      %add3A_406 = vector.broadcast %mul3A_405 : i32 to vector<16xi32>
      %add3A_407 = arith.addi %add3A_406, %iota3A : vector<16xi32>
      %broadcast_in_dim3A_408 = arith.constant -3.000000e+38 : f32
      %broadcast_in_dim3A_409 = vector.broadcast %broadcast_in_dim3A_408 : f32 to vector<16xf32>
      %mul3A_410 = arith.constant 16 : i32
      %mul3A_411 = arith.muli %while3A_403, %mul3A_410 : i32
      %le3A = vector.broadcast %mul3A_411 : i32 to vector<16xi32>
      %le3A_412 = arith.cmpi sle, %parallel_loop3A_38, %le3A : vector<16xi32>
      tpu.vector_store_idx %arg6[%add3A_407], %broadcast_in_dim3A_409 masked %le3A_412 : memref<32768xf32, #tpu.memory_space<vmem>>[vector<16xi32>], vector<16xf32>, vector<16xi1>
    }
    %while3A_72 = arith.constant 1 : i32
    scf.for %while3A_403 = %while3A_70 to %while3A_66 step %while3A_72  : i32 {
      %mul3A_404 = arith.constant 16 : i32
      %mul3A_405 = arith.muli %while3A_403, %mul3A_404 : i32
      %add3A_406 = vector.broadcast %mul3A_405 : i32 to vector<16xi32>
      %add3A_407 = arith.addi %add3A_406, %iota3A : vector<16xi32>
      %broadcast_in_dim3A_408 = arith.constant -3.000000e+38 : f32
      %broadcast_in_dim3A_409 = vector.broadcast %broadcast_in_dim3A_408 : f32 to vector<16xf32>
      %mul3A_410 = arith.constant 16 : i32
      %mul3A_411 = arith.muli %while3A_403, %mul3A_410 : i32
      %le3A = vector.broadcast %mul3A_411 : i32 to vector<16xi32>
      %le3A_412 = arith.cmpi sle, %parallel_loop3A_38, %le3A : vector<16xi32>
      tpu.vector_store_idx %arg6[%add3A_407], %broadcast_in_dim3A_409 masked %le3A_412 : memref<32768xf32, #tpu.memory_space<vmem>>[vector<16xi32>], vector<16xf32>, vector<16xi1>
    }
    %broadcast_in_dim3A_73 = vector.broadcast %sub3A_32 : f32 to vector<16xf32>
    %broadcast_in_dim3A_74 = vector.broadcast %reduce_max3A_31 : f32 to vector<16xf32>
    %scan3A = arith.constant 0 : i32
    %scan3A_75 = arith.constant 12 : i32
    %scan3A_76 = arith.addi %scan3A, %scan3A_75 : i32
    %scan3A_77 = arith.constant 1 : i32
    %scan3A_78:4 = scf.for %scan3A_403 = %scan3A to %scan3A_76 step %scan3A_77 iter_args(%scan3A_404 = %broadcast_in_dim3A_73, %scan3A_405 = %broadcast_in_dim3A_73, %scan3A_406 = %broadcast_in_dim3A_74, %scan3A_407 = %broadcast_in_dim3A_73) -> (vector<16xf32>, vector<16xf32>, vector<16xf32>, vector<16xf32>)  : i32 {
      %broadcast_in_dim3A_408 = arith.constant 0.000000e+00 : f32
      %broadcast_in_dim3A_409 = vector.broadcast %broadcast_in_dim3A_408 : f32 to vector<16xf32>
      %broadcast_in_dim3A_410 = arith.constant 0.000000e+00 : f32
      %broadcast_in_dim3A_411 = vector.broadcast %broadcast_in_dim3A_410 : f32 to vector<16xf32>
      %while3A_412 = arith.constant 0 : i32
      %while3A_413 = arith.subi %select_n3A, %while3A_412 : i32
      %while3A_414 = arith.addi %while3A_412, %while3A_413 : i32
      %while3A_415 = arith.constant 1 : i32
      %while3A_416 = arith.divsi %while3A_413, %while3A_415 : i32
      %while3A_417 = arith.muli %while3A_416, %while3A_415 : i32
      %while3A_418 = arith.addi %while3A_412, %while3A_417 : i32
      %while3A_419 = arith.constant 1 : i32
      %while3A_420:2 = scf.for %while3A_448 = %while3A_412 to %while3A_418 step %while3A_419 iter_args(%while3A_449 = %broadcast_in_dim3A_409, %while3A_450 = %broadcast_in_dim3A_411) -> (vector<16xf32>, vector<16xf32>)  : i32 {
        %mul3A_451 = arith.constant 16 : i32
        %mul3A_452 = arith.muli %while3A_448, %mul3A_451 : i32
        %get3A = arith.index_cast %mul3A_452 : i32 to index
        %get3A_453 = tpu.vector_load %arg6[%get3A] {strides = array<i32>} : memref<32768xf32, #tpu.memory_space<vmem>>, vector<16xf32>,
        %sub3A_454 = arith.subf %get3A_453, %scan3A_404 : vector<16xf32>
        %gt3A_455 = arith.constant 0.000000e+00 : f32
        %gt3A_456 = vector.broadcast %gt3A_455 : f32 to vector<16xf32>
        %gt3A_457 = arith.cmpf ogt, %sub3A_454, %gt3A_456 : vector<16xf32>
        %max3A_458 = arith.constant 0.000000e+00 : f32
        %max3A_459 = vector.broadcast %max3A_458 : f32 to vector<16xf32>
        %max3A_460 = arith.maximumf %sub3A_454, %max3A_459 : vector<16xf32>
        %add3A_461 = arith.addf %while3A_449, %max3A_460 : vector<16xf32>
        %jit3A_462 = arith.constant 1.000000e+00 : f32
        %jit3A_463 = arith.constant 0.000000e+00 : f32
        %broadcast_in_dim3A_464 = vector.broadcast %jit3A_462 : f32 to vector<16xf32>
        %broadcast_in_dim3A_465 = vector.broadcast %jit3A_463 : f32 to vector<16xf32>
        %select_n3A_466 = arith.select %gt3A_457, %broadcast_in_dim3A_464, %broadcast_in_dim3A_465 : vector<16xi1>, vector<16xf32>
        %add3A_467 = arith.addf %while3A_450, %select_n3A_466 : vector<16xf32>
        scf.yield %add3A_461, %add3A_467 : vector<16xf32>, vector<16xf32>
      }
      %while3A_421 = arith.constant 1 : i32
      %while3A_422:2 = scf.for %while3A_448 = %while3A_418 to %while3A_414 step %while3A_421 iter_args(%while3A_449 = %while3A_420#0, %while3A_450 = %while3A_420#1) -> (vector<16xf32>, vector<16xf32>)  : i32 {
        %mul3A_451 = arith.constant 16 : i32
        %mul3A_452 = arith.muli %while3A_448, %mul3A_451 : i32
        %get3A = arith.index_cast %mul3A_452 : i32 to index
        %get3A_453 = tpu.vector_load %arg6[%get3A] {strides = array<i32>} : memref<32768xf32, #tpu.memory_space<vmem>>, vector<16xf32>,
        %sub3A_454 = arith.subf %get3A_453, %scan3A_404 : vector<16xf32>
        %gt3A_455 = arith.constant 0.000000e+00 : f32
        %gt3A_456 = vector.broadcast %gt3A_455 : f32 to vector<16xf32>
        %gt3A_457 = arith.cmpf ogt, %sub3A_454, %gt3A_456 : vector<16xf32>
        %max3A_458 = arith.constant 0.000000e+00 : f32
        %max3A_459 = vector.broadcast %max3A_458 : f32 to vector<16xf32>
        %max3A_460 = arith.maximumf %sub3A_454, %max3A_459 : vector<16xf32>
        %add3A_461 = arith.addf %while3A_449, %max3A_460 : vector<16xf32>
        %jit3A_462 = arith.constant 1.000000e+00 : f32
        %jit3A_463 = arith.constant 0.000000e+00 : f32
        %broadcast_in_dim3A_464 = vector.broadcast %jit3A_462 : f32 to vector<16xf32>
        %broadcast_in_dim3A_465 = vector.broadcast %jit3A_463 : f32 to vector<16xf32>
        %select_n3A_466 = arith.select %gt3A_457, %broadcast_in_dim3A_464, %broadcast_in_dim3A_465 : vector<16xi1>, vector<16xf32>
        %add3A_467 = arith.addf %while3A_450, %select_n3A_466 : vector<16xf32>
        scf.yield %add3A_461, %add3A_467 : vector<16xf32>, vector<16xf32>
      }
      %reduce_sum3A = arith.constant true
      %reduce_sum3A_423 = vector.broadcast %reduce_sum3A : i1 to vector<16xi1>
      %reduce_sum3A_424 = tpu.scan <sum>, %while3A_422#0 masked %reduce_sum3A_423 : vector<16xf32>, vector<16xi1> -> vector<16xf32>
      %reduce_sum3A_425 = vector.extract %reduce_sum3A_424[15] : f32 from vector<16xf32>
      %sub3A_426 = arith.constant 1.000000e+00 : f32
      %sub3A_427 = arith.subf %reduce_sum3A_425, %sub3A_426 : f32
      %broadcast_in_dim3A_428 = vector.broadcast %sub3A_427 : f32 to vector<16xf32>
      %reduce_sum3A_429 = arith.constant true
      %reduce_sum3A_430 = vector.broadcast %reduce_sum3A_429 : i1 to vector<16xi1>
      %reduce_sum3A_431 = tpu.scan <sum>, %while3A_422#1 masked %reduce_sum3A_430 : vector<16xf32>, vector<16xi1> -> vector<16xf32>
      %reduce_sum3A_432 = vector.extract %reduce_sum3A_431[15] : f32 from vector<16xf32>
      %max3A = arith.constant 1.000000e+00 : f32
      %max3A_433 = arith.maximumf %reduce_sum3A_432, %max3A : f32
      %broadcast_in_dim3A_434 = vector.broadcast %max3A_433 : f32 to vector<16xf32>
      %div3A_435 = arith.divf %broadcast_in_dim3A_428, %broadcast_in_dim3A_434 : vector<16xf32>
      %add3A_436 = arith.addf %scan3A_404, %div3A_435 : vector<16xf32>
      %ge3A = arith.constant 0.000000e+00 : f32
      %ge3A_437 = vector.broadcast %ge3A : f32 to vector<16xf32>
      %ge3A_438 = arith.cmpf oge, %broadcast_in_dim3A_428, %ge3A_437 : vector<16xf32>
      %select_n3A_439 = arith.select %ge3A_438, %scan3A_404, %scan3A_405 : vector<16xi1>, vector<16xf32>
      %select_n3A_440 = arith.select %ge3A_438, %scan3A_406, %scan3A_404 : vector<16xi1>, vector<16xf32>
      %select_n3A_441 = arith.select %ge3A_438, %add3A_436, %scan3A_407 : vector<16xi1>, vector<16xf32>
      %add3A_442 = arith.addf %select_n3A_439, %select_n3A_440 : vector<16xf32>
      %mul3A_443 = arith.constant 5.000000e-01 : f32
      %mul3A_444 = vector.broadcast %mul3A_443 : f32 to vector<16xf32>
      %mul3A_445 = arith.mulf %mul3A_444, %add3A_442 : vector<16xf32>
      %gt3A = arith.cmpf ogt, %add3A_436, %select_n3A_439 : vector<16xf32>
      %lt3A = arith.cmpf olt, %add3A_436, %select_n3A_440 : vector<16xf32>
      %and3A_446 = arith.andi %gt3A, %lt3A : vector<16xi1>
      %select_n3A_447 = arith.select %and3A_446, %add3A_436, %mul3A_445 : vector<16xi1>, vector<16xf32>
      scf.yield %select_n3A_447, %select_n3A_439, %select_n3A_440, %select_n3A_441 : vector<16xf32>, vector<16xf32>, vector<16xf32>, vector<16xf32>
    }
    %scan3A_79 = arith.constant 12 : i32
    %parallel_loop3A_80 = arith.constant 0 : i32
    %parallel_loop3A_81 = arith.constant 32768 : i32
    %parallel_loop3A_82 = arith.constant 16 : i32
    scf.for %parallel_loop3A_403 = %parallel_loop3A_80 to %parallel_loop3A_81 step %parallel_loop3A_82  : i32 {
      %parallel_loop3A_404 = arith.index_cast %parallel_loop3A_403 : i32 to index
      %parallel_loop3A_405 = tpu.vector_load %arg4[%parallel_loop3A_404] {strides = array<i32>} : memref<32768xf32, #tpu.memory_space<vmem>>, vector<16xf32>,
      %parallel_loop3A_406 = arith.subf %parallel_loop3A_405, %scan3A_78#3 : vector<16xf32>
      %parallel_loop3A_407 = arith.constant 0.000000e+00 : f32
      %parallel_loop3A_408 = vector.broadcast %parallel_loop3A_407 : f32 to vector<16xf32>
      %parallel_loop3A_409 = arith.maximumf %parallel_loop3A_406, %parallel_loop3A_408 : vector<16xf32>
      %parallel_loop3A_410 = arith.index_cast %parallel_loop3A_403 : i32 to index
      %parallel_loop3A_411 = tpu.vector_load %arg4[%parallel_loop3A_410] {strides = array<i32>} : memref<32768xf32, #tpu.memory_space<vmem>>, vector<16xf32>,
      tpu.vector_store %arg4[%parallel_loop3A_410], %parallel_loop3A_409 {strides = array<i32>} : memref<32768xf32, #tpu.memory_space<vmem>>, vector<16xf32>,
    } {sc.loop_unroll_factor = 8 : i64, sc.parallel_access}
    %add3A_83 = arith.constant 0 : i32
    %add3A_84 = arith.addi %mul3A_2, %add3A_83 : i32
    %dma_start3A_85 = arith.constant 0 : i32
    %dma_start3A_86 = tpu.memref_slice %arg3[%add3A_84, %dma_start3A_85] : memref<128x32768xf32, #tpu.memory_space<hbm>> -> memref<1x32768xf32, #tpu.memory_space<hbm>>
    %dma_start3A_87 = tpu.memref_squeeze %dma_start3A_86 : memref<1x32768xf32, #tpu.memory_space<hbm>> -> memref<32768xf32, #tpu.memory_space<hbm>>
    %dma_start3A_88 = arith.constant 0 : i32
    %dma_start3A_89 = tpu.memref_slice %arg3[%add3A_84, %dma_start3A_88] : memref<128x32768xf32, #tpu.memory_space<hbm>> -> memref<1x32768xf32, #tpu.memory_space<hbm>>
    %dma_start3A_90 = tpu.memref_squeeze %dma_start3A_89 : memref<1x32768xf32, #tpu.memory_space<hbm>> -> memref<32768xf32, #tpu.memory_space<hbm>>
    tpu.enqueue_dma source(%arg4 : memref<32768xf32, #tpu.memory_space<vmem>>) target(%dma_start3A_90 : memref<32768xf32, #tpu.memory_space<hbm>>) target_semaphore(%arg9 : memref<!tpu.dma_semaphore, #tpu.memory_space<semaphore_mem>>)
    %add3A_91 = arith.constant 0 : i32
    %add3A_92 = arith.addi %mul3A_2, %add3A_91 : i32
    %dma_wait3A_93 = arith.constant 0 : i32
    %dma_wait3A_94 = tpu.memref_slice %arg3[%add3A_92, %dma_wait3A_93] : memref<128x32768xf32, #tpu.memory_space<hbm>> -> memref<1x32768xf32, #tpu.memory_space<hbm>>
    %dma_wait3A_95 = tpu.memref_squeeze %dma_wait3A_94 : memref<1x32768xf32, #tpu.memory_space<hbm>> -> memref<32768xf32, #tpu.memory_space<hbm>>
    %dma_wait3A_96 = arith.constant 0 : i32
    %dma_wait3A_97 = tpu.memref_slice %arg3[%add3A_92, %dma_wait3A_96] : memref<128x32768xf32, #tpu.memory_space<hbm>> -> memref<1x32768xf32, #tpu.memory_space<hbm>>
    %dma_wait3A_98 = tpu.memref_squeeze %dma_wait3A_97 : memref<1x32768xf32, #tpu.memory_space<hbm>> -> memref<32768xf32, #tpu.memory_space<hbm>>
    tpu.wait_dma2 semaphore(%arg9 : memref<!tpu.dma_semaphore, #tpu.memory_space<semaphore_mem>>) src(%arg4 : memref<32768xf32, #tpu.memory_space<vmem>>) dst(%dma_wait3A_98 : memref<32768xf32, #tpu.memory_space<hbm>>)
    %add3A_99 = arith.constant 2 : i32
    %add3A_100 = arith.addi %mul3A_2, %add3A_99 : i32
    %dma_start3A_101 = arith.constant 0 : i32
    %dma_start3A_102 = tpu.memref_slice %arg2[%add3A_100, %dma_start3A_101] : memref<128x32768xf32, #tpu.memory_space<hbm>> -> memref<1x32768xf32, #tpu.memory_space<hbm>>
    %dma_start3A_103 = tpu.memref_squeeze %dma_start3A_102 : memref<1x32768xf32, #tpu.memory_space<hbm>> -> memref<32768xf32, #tpu.memory_space<hbm>>
    %dma_start3A_104 = arith.constant 0 : i32
    %dma_start3A_105 = tpu.memref_slice %arg2[%add3A_100, %dma_start3A_104] : memref<128x32768xf32, #tpu.memory_space<hbm>> -> memref<1x32768xf32, #tpu.memory_space<hbm>>
    %dma_start3A_106 = tpu.memref_squeeze %dma_start3A_105 : memref<1x32768xf32, #tpu.memory_space<hbm>> -> memref<32768xf32, #tpu.memory_space<hbm>>
    tpu.enqueue_dma source(%dma_start3A_106 : memref<32768xf32, #tpu.memory_space<hbm>>) target(%arg4 : memref<32768xf32, #tpu.memory_space<vmem>>) target_semaphore(%arg7 : memref<!tpu.dma_semaphore, #tpu.memory_space<semaphore_mem>>)
    %add3A_107 = arith.constant 1 : i32
    %add3A_108 = arith.addi %mul3A_2, %add3A_107 : i32
    %dma_wait3A_109 = arith.constant 0 : i32
    %dma_wait3A_110 = tpu.memref_slice %arg2[%add3A_108, %dma_wait3A_109] : memref<128x32768xf32, #tpu.memory_space<hbm>> -> memref<1x32768xf32, #tpu.memory_space<hbm>>
    %dma_wait3A_111 = tpu.memref_squeeze %dma_wait3A_110 : memref<1x32768xf32, #tpu.memory_space<hbm>> -> memref<32768xf32, #tpu.memory_space<hbm>>
    %dma_wait3A_112 = arith.constant 0 : i32
    %dma_wait3A_113 = tpu.memref_slice %arg2[%add3A_108, %dma_wait3A_112] : memref<128x32768xf32, #tpu.memory_space<hbm>> -> memref<1x32768xf32, #tpu.memory_space<hbm>>
    %dma_wait3A_114 = tpu.memref_squeeze %dma_wait3A_113 : memref<1x32768xf32, #tpu.memory_space<hbm>> -> memref<32768xf32, #tpu.memory_space<hbm>>
    tpu.wait_dma2 semaphore(%arg8 : memref<!tpu.dma_semaphore, #tpu.memory_space<semaphore_mem>>) src(%dma_wait3A_114 : memref<32768xf32, #tpu.memory_space<hbm>>) dst(%arg5 : memref<32768xf32, #tpu.memory_space<vmem>>)
    %broadcast_in_dim3A_115 = arith.constant -3.000000e+38 : f32
    %broadcast_in_dim3A_116 = vector.broadcast %broadcast_in_dim3A_115 : f32 to vector<16xf32>
    %parallel_loop3A_117 = arith.constant 0 : i32
    %parallel_loop3A_118 = arith.constant 32768 : i32
    %parallel_loop3A_119 = arith.constant 16 : i32
    %parallel_loop3A_120 = scf.for %parallel_loop3A_403 = %parallel_loop3A_117 to %parallel_loop3A_118 step %parallel_loop3A_119 iter_args(%parallel_loop3A_404 = %broadcast_in_dim3A_116) -> (vector<16xf32>)  : i32 {
      %parallel_loop3A_405 = arith.index_cast %parallel_loop3A_403 : i32 to index
      %parallel_loop3A_406 = tpu.vector_load %arg5[%parallel_loop3A_405] {strides = array<i32>} : memref<32768xf32, #tpu.memory_space<vmem>>, vector<16xf32>,
      %parallel_loop3A_407 = arith.maximumf %parallel_loop3A_404, %parallel_loop3A_406 : vector<16xf32>
      scf.yield %parallel_loop3A_407 : vector<16xf32>
    } {sc.loop_unroll_factor = 8 : i64, sc.parallel_access}
    %reduce_max3A_121 = arith.constant true
    %reduce_max3A_122 = vector.broadcast %reduce_max3A_121 : i1 to vector<16xi1>
    %reduce_max3A_123 = tpu.scan <max>, %parallel_loop3A_120 masked %reduce_max3A_122 : vector<16xf32>, vector<16xi1> -> vector<16xf32>
    %reduce_max3A_124 = vector.extract %reduce_max3A_123[15] : f32 from vector<16xf32>
    %sub3A_125 = arith.constant 1.000000e+00 : f32
    %sub3A_126 = arith.subf %reduce_max3A_124, %sub3A_125 : f32
    %iota3A_127 = tpu.iota {dimensions = array<i32: 0>} : vector<16xi32>
    %broadcast_in_dim3A_128 = arith.constant 0 : i32
    %broadcast_in_dim3A_129 = vector.broadcast %broadcast_in_dim3A_128 : i32 to vector<16xi32>
    %parallel_loop3A_130 = arith.constant 0 : i32
    %parallel_loop3A_131 = arith.constant 32768 : i32
    %parallel_loop3A_132 = arith.constant 16 : i32
    %parallel_loop3A_133 = scf.for %parallel_loop3A_403 = %parallel_loop3A_130 to %parallel_loop3A_131 step %parallel_loop3A_132 iter_args(%parallel_loop3A_404 = %broadcast_in_dim3A_129) -> (vector<16xi32>)  : i32 {
      %parallel_loop3A_405 = arith.index_cast %parallel_loop3A_403 : i32 to index
      %parallel_loop3A_406 = tpu.vector_load %arg5[%parallel_loop3A_405] {strides = array<i32>} : memref<32768xf32, #tpu.memory_space<vmem>>, vector<16xf32>,
      %parallel_loop3A_407 = vector.broadcast %sub3A_126 : f32 to vector<16xf32>
      %parallel_loop3A_408 = arith.cmpf ogt, %parallel_loop3A_406, %parallel_loop3A_407 : vector<16xf32>
      %parallel_loop3A_409 = arith.ori %parallel_loop3A_404, %iota3A_127 : vector<16xi32>
      tpu.vector_store_idx %arg6[%parallel_loop3A_409], %parallel_loop3A_406 masked %parallel_loop3A_408 : memref<32768xf32, #tpu.memory_space<vmem>>[vector<16xi32>], vector<16xf32>, vector<16xi1>
      %parallel_loop3A_410 = arith.constant 16 : i32
      %parallel_loop3A_411 = arith.constant 0 : i32
      %parallel_loop3A_412 = vector.broadcast %parallel_loop3A_410 : i32 to vector<16xi32>
      %parallel_loop3A_413 = vector.broadcast %parallel_loop3A_411 : i32 to vector<16xi32>
      %parallel_loop3A_414 = arith.select %parallel_loop3A_408, %parallel_loop3A_412, %parallel_loop3A_413 : vector<16xi1>, vector<16xi32>
      %parallel_loop3A_415 = arith.addi %parallel_loop3A_404, %parallel_loop3A_414 : vector<16xi32>
      scf.yield %parallel_loop3A_415 : vector<16xi32>
    } {sc.loop_unroll_factor = 8 : i64, sc.parallel_access}
    %reduce_max3A_134 = arith.constant true
    %reduce_max3A_135 = vector.broadcast %reduce_max3A_134 : i1 to vector<16xi1>
    %reduce_max3A_136 = arith.constant -2147483648 : i32
    %reduce_max3A_137 = vector.broadcast %reduce_max3A_136 : i32 to vector<16xi32>
    %reduce_max3A_138 = arith.xori %parallel_loop3A_133, %reduce_max3A_137 : vector<16xi32>
    %reduce_max3A_139 = tpu.scan <max>, %reduce_max3A_138 masked %reduce_max3A_135 : vector<16xi32>, vector<16xi1> -> vector<16xi32>
    %reduce_max3A_140 = arith.xori %reduce_max3A_139, %reduce_max3A_137 : vector<16xi32>
    %reduce_max3A_141 = vector.extract %reduce_max3A_140[15] : i32 from vector<16xi32>
    %jit3A_142 = arith.constant 16 : i32
    %div3A_143 = arith.divsi %reduce_max3A_141, %jit3A_142 : i32
    %sign3A_144 = arith.constant 0 : i32
    %sign3A_145 = arith.cmpi sgt, %reduce_max3A_141, %sign3A_144 : i32
    %sign3A_146 = arith.extui %sign3A_145 : i1 to i32
    %sign3A_147 = arith.constant 0 : i32
    %sign3A_148 = arith.cmpi slt, %reduce_max3A_141, %sign3A_147 : i32
    %sign3A_149 = arith.extui %sign3A_148 : i1 to i32
    %sign3A_150 = arith.subi %sign3A_146, %sign3A_149 : i32
    %sign3A_151 = arith.constant 0 : i32
    %sign3A_152 = arith.cmpi sgt, %jit3A_142, %sign3A_151 : i32
    %sign3A_153 = arith.extui %sign3A_152 : i1 to i32
    %sign3A_154 = arith.constant 0 : i32
    %sign3A_155 = arith.cmpi slt, %jit3A_142, %sign3A_154 : i32
    %sign3A_156 = arith.extui %sign3A_155 : i1 to i32
    %sign3A_157 = arith.subi %sign3A_153, %sign3A_156 : i32
    %ne3A_158 = arith.cmpi ne, %sign3A_150, %sign3A_157 : i32
    %rem3A_159 = arith.remsi %reduce_max3A_141, %jit3A_142 : i32
    %ne3A_160 = arith.constant 0 : i32
    %ne3A_161 = arith.cmpi ne, %rem3A_159, %ne3A_160 : i32
    %and3A_162 = arith.andi %ne3A_158, %ne3A_161 : i1
    %sub3A_163 = arith.constant 1 : i32
    %sub3A_164 = arith.subi %div3A_143, %sub3A_163 : i32
    %select_n3A_165 = arith.select %and3A_162, %sub3A_164, %div3A_143 : i32
    %while3A_166 = arith.constant 0 : i32
    %while3A_167 = arith.constant 0 : i32
    %while3A_168 = arith.subi %select_n3A_165, %while3A_167 : i32
    %while3A_169 = arith.addi %while3A_167, %while3A_168 : i32
    %while3A_170 = arith.constant 1 : i32
    %while3A_171 = arith.divsi %while3A_168, %while3A_170 : i32
    %while3A_172 = arith.muli %while3A_171, %while3A_170 : i32
    %while3A_173 = arith.addi %while3A_167, %while3A_172 : i32
    %while3A_174 = arith.constant 1 : i32
    scf.for %while3A_403 = %while3A_167 to %while3A_173 step %while3A_174  : i32 {
      %mul3A_404 = arith.constant 16 : i32
      %mul3A_405 = arith.muli %while3A_403, %mul3A_404 : i32
      %add3A_406 = vector.broadcast %mul3A_405 : i32 to vector<16xi32>
      %add3A_407 = arith.addi %add3A_406, %iota3A_127 : vector<16xi32>
      %broadcast_in_dim3A_408 = arith.constant -3.000000e+38 : f32
      %broadcast_in_dim3A_409 = vector.broadcast %broadcast_in_dim3A_408 : f32 to vector<16xf32>
      %mul3A_410 = arith.constant 16 : i32
      %mul3A_411 = arith.muli %while3A_403, %mul3A_410 : i32
      %le3A = vector.broadcast %mul3A_411 : i32 to vector<16xi32>
      %le3A_412 = arith.cmpi sle, %parallel_loop3A_133, %le3A : vector<16xi32>
      tpu.vector_store_idx %arg6[%add3A_407], %broadcast_in_dim3A_409 masked %le3A_412 : memref<32768xf32, #tpu.memory_space<vmem>>[vector<16xi32>], vector<16xf32>, vector<16xi1>
    }
    %while3A_175 = arith.constant 1 : i32
    scf.for %while3A_403 = %while3A_173 to %while3A_169 step %while3A_175  : i32 {
      %mul3A_404 = arith.constant 16 : i32
      %mul3A_405 = arith.muli %while3A_403, %mul3A_404 : i32
      %add3A_406 = vector.broadcast %mul3A_405 : i32 to vector<16xi32>
      %add3A_407 = arith.addi %add3A_406, %iota3A_127 : vector<16xi32>
      %broadcast_in_dim3A_408 = arith.constant -3.000000e+38 : f32
      %broadcast_in_dim3A_409 = vector.broadcast %broadcast_in_dim3A_408 : f32 to vector<16xf32>
      %mul3A_410 = arith.constant 16 : i32
      %mul3A_411 = arith.muli %while3A_403, %mul3A_410 : i32
      %le3A = vector.broadcast %mul3A_411 : i32 to vector<16xi32>
      %le3A_412 = arith.cmpi sle, %parallel_loop3A_133, %le3A : vector<16xi32>
      tpu.vector_store_idx %arg6[%add3A_407], %broadcast_in_dim3A_409 masked %le3A_412 : memref<32768xf32, #tpu.memory_space<vmem>>[vector<16xi32>], vector<16xf32>, vector<16xi1>
    }
    %broadcast_in_dim3A_176 = vector.broadcast %sub3A_126 : f32 to vector<16xf32>
    %broadcast_in_dim3A_177 = vector.broadcast %reduce_max3A_124 : f32 to vector<16xf32>
    %scan3A_178 = arith.constant 0 : i32
    %scan3A_179 = arith.constant 12 : i32
    %scan3A_180 = arith.addi %scan3A_178, %scan3A_179 : i32
    %scan3A_181 = arith.constant 1 : i32
    %scan3A_182:4 = scf.for %scan3A_403 = %scan3A_178 to %scan3A_180 step %scan3A_181 iter_args(%scan3A_404 = %broadcast_in_dim3A_176, %scan3A_405 = %broadcast_in_dim3A_176, %scan3A_406 = %broadcast_in_dim3A_177, %scan3A_407 = %broadcast_in_dim3A_176) -> (vector<16xf32>, vector<16xf32>, vector<16xf32>, vector<16xf32>)  : i32 {
      %broadcast_in_dim3A_408 = arith.constant 0.000000e+00 : f32
      %broadcast_in_dim3A_409 = vector.broadcast %broadcast_in_dim3A_408 : f32 to vector<16xf32>
      %broadcast_in_dim3A_410 = arith.constant 0.000000e+00 : f32
      %broadcast_in_dim3A_411 = vector.broadcast %broadcast_in_dim3A_410 : f32 to vector<16xf32>
      %while3A_412 = arith.constant 0 : i32
      %while3A_413 = arith.subi %select_n3A_165, %while3A_412 : i32
      %while3A_414 = arith.addi %while3A_412, %while3A_413 : i32
      %while3A_415 = arith.constant 1 : i32
      %while3A_416 = arith.divsi %while3A_413, %while3A_415 : i32
      %while3A_417 = arith.muli %while3A_416, %while3A_415 : i32
      %while3A_418 = arith.addi %while3A_412, %while3A_417 : i32
      %while3A_419 = arith.constant 1 : i32
      %while3A_420:2 = scf.for %while3A_448 = %while3A_412 to %while3A_418 step %while3A_419 iter_args(%while3A_449 = %broadcast_in_dim3A_409, %while3A_450 = %broadcast_in_dim3A_411) -> (vector<16xf32>, vector<16xf32>)  : i32 {
        %mul3A_451 = arith.constant 16 : i32
        %mul3A_452 = arith.muli %while3A_448, %mul3A_451 : i32
        %get3A = arith.index_cast %mul3A_452 : i32 to index
        %get3A_453 = tpu.vector_load %arg6[%get3A] {strides = array<i32>} : memref<32768xf32, #tpu.memory_space<vmem>>, vector<16xf32>,
        %sub3A_454 = arith.subf %get3A_453, %scan3A_404 : vector<16xf32>
        %gt3A_455 = arith.constant 0.000000e+00 : f32
        %gt3A_456 = vector.broadcast %gt3A_455 : f32 to vector<16xf32>
        %gt3A_457 = arith.cmpf ogt, %sub3A_454, %gt3A_456 : vector<16xf32>
        %max3A_458 = arith.constant 0.000000e+00 : f32
        %max3A_459 = vector.broadcast %max3A_458 : f32 to vector<16xf32>
        %max3A_460 = arith.maximumf %sub3A_454, %max3A_459 : vector<16xf32>
        %add3A_461 = arith.addf %while3A_449, %max3A_460 : vector<16xf32>
        %jit3A_462 = arith.constant 1.000000e+00 : f32
        %jit3A_463 = arith.constant 0.000000e+00 : f32
        %broadcast_in_dim3A_464 = vector.broadcast %jit3A_462 : f32 to vector<16xf32>
        %broadcast_in_dim3A_465 = vector.broadcast %jit3A_463 : f32 to vector<16xf32>
        %select_n3A_466 = arith.select %gt3A_457, %broadcast_in_dim3A_464, %broadcast_in_dim3A_465 : vector<16xi1>, vector<16xf32>
        %add3A_467 = arith.addf %while3A_450, %select_n3A_466 : vector<16xf32>
        scf.yield %add3A_461, %add3A_467 : vector<16xf32>, vector<16xf32>
      }
      %while3A_421 = arith.constant 1 : i32
      %while3A_422:2 = scf.for %while3A_448 = %while3A_418 to %while3A_414 step %while3A_421 iter_args(%while3A_449 = %while3A_420#0, %while3A_450 = %while3A_420#1) -> (vector<16xf32>, vector<16xf32>)  : i32 {
        %mul3A_451 = arith.constant 16 : i32
        %mul3A_452 = arith.muli %while3A_448, %mul3A_451 : i32
        %get3A = arith.index_cast %mul3A_452 : i32 to index
        %get3A_453 = tpu.vector_load %arg6[%get3A] {strides = array<i32>} : memref<32768xf32, #tpu.memory_space<vmem>>, vector<16xf32>,
        %sub3A_454 = arith.subf %get3A_453, %scan3A_404 : vector<16xf32>
        %gt3A_455 = arith.constant 0.000000e+00 : f32
        %gt3A_456 = vector.broadcast %gt3A_455 : f32 to vector<16xf32>
        %gt3A_457 = arith.cmpf ogt, %sub3A_454, %gt3A_456 : vector<16xf32>
        %max3A_458 = arith.constant 0.000000e+00 : f32
        %max3A_459 = vector.broadcast %max3A_458 : f32 to vector<16xf32>
        %max3A_460 = arith.maximumf %sub3A_454, %max3A_459 : vector<16xf32>
        %add3A_461 = arith.addf %while3A_449, %max3A_460 : vector<16xf32>
        %jit3A_462 = arith.constant 1.000000e+00 : f32
        %jit3A_463 = arith.constant 0.000000e+00 : f32
        %broadcast_in_dim3A_464 = vector.broadcast %jit3A_462 : f32 to vector<16xf32>
        %broadcast_in_dim3A_465 = vector.broadcast %jit3A_463 : f32 to vector<16xf32>
        %select_n3A_466 = arith.select %gt3A_457, %broadcast_in_dim3A_464, %broadcast_in_dim3A_465 : vector<16xi1>, vector<16xf32>
        %add3A_467 = arith.addf %while3A_450, %select_n3A_466 : vector<16xf32>
        scf.yield %add3A_461, %add3A_467 : vector<16xf32>, vector<16xf32>
      }
      %reduce_sum3A = arith.constant true
      %reduce_sum3A_423 = vector.broadcast %reduce_sum3A : i1 to vector<16xi1>
      %reduce_sum3A_424 = tpu.scan <sum>, %while3A_422#0 masked %reduce_sum3A_423 : vector<16xf32>, vector<16xi1> -> vector<16xf32>
      %reduce_sum3A_425 = vector.extract %reduce_sum3A_424[15] : f32 from vector<16xf32>
      %sub3A_426 = arith.constant 1.000000e+00 : f32
      %sub3A_427 = arith.subf %reduce_sum3A_425, %sub3A_426 : f32
      %broadcast_in_dim3A_428 = vector.broadcast %sub3A_427 : f32 to vector<16xf32>
      %reduce_sum3A_429 = arith.constant true
      %reduce_sum3A_430 = vector.broadcast %reduce_sum3A_429 : i1 to vector<16xi1>
      %reduce_sum3A_431 = tpu.scan <sum>, %while3A_422#1 masked %reduce_sum3A_430 : vector<16xf32>, vector<16xi1> -> vector<16xf32>
      %reduce_sum3A_432 = vector.extract %reduce_sum3A_431[15] : f32 from vector<16xf32>
      %max3A = arith.constant 1.000000e+00 : f32
      %max3A_433 = arith.maximumf %reduce_sum3A_432, %max3A : f32
      %broadcast_in_dim3A_434 = vector.broadcast %max3A_433 : f32 to vector<16xf32>
      %div3A_435 = arith.divf %broadcast_in_dim3A_428, %broadcast_in_dim3A_434 : vector<16xf32>
      %add3A_436 = arith.addf %scan3A_404, %div3A_435 : vector<16xf32>
      %ge3A = arith.constant 0.000000e+00 : f32
      %ge3A_437 = vector.broadcast %ge3A : f32 to vector<16xf32>
      %ge3A_438 = arith.cmpf oge, %broadcast_in_dim3A_428, %ge3A_437 : vector<16xf32>
      %select_n3A_439 = arith.select %ge3A_438, %scan3A_404, %scan3A_405 : vector<16xi1>, vector<16xf32>
      %select_n3A_440 = arith.select %ge3A_438, %scan3A_406, %scan3A_404 : vector<16xi1>, vector<16xf32>
      %select_n3A_441 = arith.select %ge3A_438, %add3A_436, %scan3A_407 : vector<16xi1>, vector<16xf32>
      %add3A_442 = arith.addf %select_n3A_439, %select_n3A_440 : vector<16xf32>
      %mul3A_443 = arith.constant 5.000000e-01 : f32
      %mul3A_444 = vector.broadcast %mul3A_443 : f32 to vector<16xf32>
      %mul3A_445 = arith.mulf %mul3A_444, %add3A_442 : vector<16xf32>
      %gt3A = arith.cmpf ogt, %add3A_436, %select_n3A_439 : vector<16xf32>
      %lt3A = arith.cmpf olt, %add3A_436, %select_n3A_440 : vector<16xf32>
      %and3A_446 = arith.andi %gt3A, %lt3A : vector<16xi1>
      %select_n3A_447 = arith.select %and3A_446, %add3A_436, %mul3A_445 : vector<16xi1>, vector<16xf32>
      scf.yield %select_n3A_447, %select_n3A_439, %select_n3A_440, %select_n3A_441 : vector<16xf32>, vector<16xf32>, vector<16xf32>, vector<16xf32>
    }
    %scan3A_183 = arith.constant 12 : i32
    %parallel_loop3A_184 = arith.constant 0 : i32
    %parallel_loop3A_185 = arith.constant 32768 : i32
    %parallel_loop3A_186 = arith.constant 16 : i32
    scf.for %parallel_loop3A_403 = %parallel_loop3A_184 to %parallel_loop3A_185 step %parallel_loop3A_186  : i32 {
      %parallel_loop3A_404 = arith.index_cast %parallel_loop3A_403 : i32 to index
      %parallel_loop3A_405 = tpu.vector_load %arg5[%parallel_loop3A_404] {strides = array<i32>} : memref<32768xf32, #tpu.memory_space<vmem>>, vector<16xf32>,
      %parallel_loop3A_406 = arith.subf %parallel_loop3A_405, %scan3A_182#3 : vector<16xf32>
      %parallel_loop3A_407 = arith.constant 0.000000e+00 : f32
      %parallel_loop3A_408 = vector.broadcast %parallel_loop3A_407 : f32 to vector<16xf32>
      %parallel_loop3A_409 = arith.maximumf %parallel_loop3A_406, %parallel_loop3A_408 : vector<16xf32>
      %parallel_loop3A_410 = arith.index_cast %parallel_loop3A_403 : i32 to index
      %parallel_loop3A_411 = tpu.vector_load %arg5[%parallel_loop3A_410] {strides = array<i32>} : memref<32768xf32, #tpu.memory_space<vmem>>, vector<16xf32>,
      tpu.vector_store %arg5[%parallel_loop3A_410], %parallel_loop3A_409 {strides = array<i32>} : memref<32768xf32, #tpu.memory_space<vmem>>, vector<16xf32>,
    } {sc.loop_unroll_factor = 8 : i64, sc.parallel_access}
    %add3A_187 = arith.constant 1 : i32
    %add3A_188 = arith.addi %mul3A_2, %add3A_187 : i32
    %dma_start3A_189 = arith.constant 0 : i32
    %dma_start3A_190 = tpu.memref_slice %arg3[%add3A_188, %dma_start3A_189] : memref<128x32768xf32, #tpu.memory_space<hbm>> -> memref<1x32768xf32, #tpu.memory_space<hbm>>
    %dma_start3A_191 = tpu.memref_squeeze %dma_start3A_190 : memref<1x32768xf32, #tpu.memory_space<hbm>> -> memref<32768xf32, #tpu.memory_space<hbm>>
    %dma_start3A_192 = arith.constant 0 : i32
    %dma_start3A_193 = tpu.memref_slice %arg3[%add3A_188, %dma_start3A_192] : memref<128x32768xf32, #tpu.memory_space<hbm>> -> memref<1x32768xf32, #tpu.memory_space<hbm>>
    %dma_start3A_194 = tpu.memref_squeeze %dma_start3A_193 : memref<1x32768xf32, #tpu.memory_space<hbm>> -> memref<32768xf32, #tpu.memory_space<hbm>>
    tpu.enqueue_dma source(%arg5 : memref<32768xf32, #tpu.memory_space<vmem>>) target(%dma_start3A_194 : memref<32768xf32, #tpu.memory_space<hbm>>) target_semaphore(%arg10 : memref<!tpu.dma_semaphore, #tpu.memory_space<semaphore_mem>>)
    %add3A_195 = arith.constant 1 : i32
    %add3A_196 = arith.addi %mul3A_2, %add3A_195 : i32
    %dma_wait3A_197 = arith.constant 0 : i32
    %dma_wait3A_198 = tpu.memref_slice %arg3[%add3A_196, %dma_wait3A_197] : memref<128x32768xf32, #tpu.memory_space<hbm>> -> memref<1x32768xf32, #tpu.memory_space<hbm>>
    %dma_wait3A_199 = tpu.memref_squeeze %dma_wait3A_198 : memref<1x32768xf32, #tpu.memory_space<hbm>> -> memref<32768xf32, #tpu.memory_space<hbm>>
    %dma_wait3A_200 = arith.constant 0 : i32
    %dma_wait3A_201 = tpu.memref_slice %arg3[%add3A_196, %dma_wait3A_200] : memref<128x32768xf32, #tpu.memory_space<hbm>> -> memref<1x32768xf32, #tpu.memory_space<hbm>>
    %dma_wait3A_202 = tpu.memref_squeeze %dma_wait3A_201 : memref<1x32768xf32, #tpu.memory_space<hbm>> -> memref<32768xf32, #tpu.memory_space<hbm>>
    tpu.wait_dma2 semaphore(%arg10 : memref<!tpu.dma_semaphore, #tpu.memory_space<semaphore_mem>>) src(%arg5 : memref<32768xf32, #tpu.memory_space<vmem>>) dst(%dma_wait3A_202 : memref<32768xf32, #tpu.memory_space<hbm>>)
    %add3A_203 = arith.constant 3 : i32
    %add3A_204 = arith.addi %mul3A_2, %add3A_203 : i32
    %dma_start3A_205 = arith.constant 0 : i32
    %dma_start3A_206 = tpu.memref_slice %arg2[%add3A_204, %dma_start3A_205] : memref<128x32768xf32, #tpu.memory_space<hbm>> -> memref<1x32768xf32, #tpu.memory_space<hbm>>
    %dma_start3A_207 = tpu.memref_squeeze %dma_start3A_206 : memref<1x32768xf32, #tpu.memory_space<hbm>> -> memref<32768xf32, #tpu.memory_space<hbm>>
    %dma_start3A_208 = arith.constant 0 : i32
    %dma_start3A_209 = tpu.memref_slice %arg2[%add3A_204, %dma_start3A_208] : memref<128x32768xf32, #tpu.memory_space<hbm>> -> memref<1x32768xf32, #tpu.memory_space<hbm>>
    %dma_start3A_210 = tpu.memref_squeeze %dma_start3A_209 : memref<1x32768xf32, #tpu.memory_space<hbm>> -> memref<32768xf32, #tpu.memory_space<hbm>>
    tpu.enqueue_dma source(%dma_start3A_210 : memref<32768xf32, #tpu.memory_space<hbm>>) target(%arg5 : memref<32768xf32, #tpu.memory_space<vmem>>) target_semaphore(%arg8 : memref<!tpu.dma_semaphore, #tpu.memory_space<semaphore_mem>>)
    %add3A_211 = arith.constant 2 : i32
    %add3A_212 = arith.addi %mul3A_2, %add3A_211 : i32
    %dma_wait3A_213 = arith.constant 0 : i32
    %dma_wait3A_214 = tpu.memref_slice %arg2[%add3A_212, %dma_wait3A_213] : memref<128x32768xf32, #tpu.memory_space<hbm>> -> memref<1x32768xf32, #tpu.memory_space<hbm>>
    %dma_wait3A_215 = tpu.memref_squeeze %dma_wait3A_214 : memref<1x32768xf32, #tpu.memory_space<hbm>> -> memref<32768xf32, #tpu.memory_space<hbm>>
    %dma_wait3A_216 = arith.constant 0 : i32
    %dma_wait3A_217 = tpu.memref_slice %arg2[%add3A_212, %dma_wait3A_216] : memref<128x32768xf32, #tpu.memory_space<hbm>> -> memref<1x32768xf32, #tpu.memory_space<hbm>>
    %dma_wait3A_218 = tpu.memref_squeeze %dma_wait3A_217 : memref<1x32768xf32, #tpu.memory_space<hbm>> -> memref<32768xf32, #tpu.memory_space<hbm>>
    tpu.wait_dma2 semaphore(%arg7 : memref<!tpu.dma_semaphore, #tpu.memory_space<semaphore_mem>>) src(%dma_wait3A_218 : memref<32768xf32, #tpu.memory_space<hbm>>) dst(%arg4 : memref<32768xf32, #tpu.memory_space<vmem>>)
    %broadcast_in_dim3A_219 = arith.constant -3.000000e+38 : f32
    %broadcast_in_dim3A_220 = vector.broadcast %broadcast_in_dim3A_219 : f32 to vector<16xf32>
    %parallel_loop3A_221 = arith.constant 0 : i32
    %parallel_loop3A_222 = arith.constant 32768 : i32
    %parallel_loop3A_223 = arith.constant 16 : i32
    %parallel_loop3A_224 = scf.for %parallel_loop3A_403 = %parallel_loop3A_221 to %parallel_loop3A_222 step %parallel_loop3A_223 iter_args(%parallel_loop3A_404 = %broadcast_in_dim3A_220) -> (vector<16xf32>)  : i32 {
      %parallel_loop3A_405 = arith.index_cast %parallel_loop3A_403 : i32 to index
      %parallel_loop3A_406 = tpu.vector_load %arg4[%parallel_loop3A_405] {strides = array<i32>} : memref<32768xf32, #tpu.memory_space<vmem>>, vector<16xf32>,
      %parallel_loop3A_407 = arith.maximumf %parallel_loop3A_404, %parallel_loop3A_406 : vector<16xf32>
      scf.yield %parallel_loop3A_407 : vector<16xf32>
    } {sc.loop_unroll_factor = 8 : i64, sc.parallel_access}
    %reduce_max3A_225 = arith.constant true
    %reduce_max3A_226 = vector.broadcast %reduce_max3A_225 : i1 to vector<16xi1>
    %reduce_max3A_227 = tpu.scan <max>, %parallel_loop3A_224 masked %reduce_max3A_226 : vector<16xf32>, vector<16xi1> -> vector<16xf32>
    %reduce_max3A_228 = vector.extract %reduce_max3A_227[15] : f32 from vector<16xf32>
    %sub3A_229 = arith.constant 1.000000e+00 : f32
    %sub3A_230 = arith.subf %reduce_max3A_228, %sub3A_229 : f32
    %iota3A_231 = tpu.iota {dimensions = array<i32: 0>} : vector<16xi32>
    %broadcast_in_dim3A_232 = arith.constant 0 : i32
    %broadcast_in_dim3A_233 = vector.broadcast %broadcast_in_dim3A_232 : i32 to vector<16xi32>
    %parallel_loop3A_234 = arith.constant 0 : i32
    %parallel_loop3A_235 = arith.constant 32768 : i32
    %parallel_loop3A_236 = arith.constant 16 : i32
    %parallel_loop3A_237 = scf.for %parallel_loop3A_403 = %parallel_loop3A_234 to %parallel_loop3A_235 step %parallel_loop3A_236 iter_args(%parallel_loop3A_404 = %broadcast_in_dim3A_233) -> (vector<16xi32>)  : i32 {
      %parallel_loop3A_405 = arith.index_cast %parallel_loop3A_403 : i32 to index
      %parallel_loop3A_406 = tpu.vector_load %arg4[%parallel_loop3A_405] {strides = array<i32>} : memref<32768xf32, #tpu.memory_space<vmem>>, vector<16xf32>,
      %parallel_loop3A_407 = vector.broadcast %sub3A_230 : f32 to vector<16xf32>
      %parallel_loop3A_408 = arith.cmpf ogt, %parallel_loop3A_406, %parallel_loop3A_407 : vector<16xf32>
      %parallel_loop3A_409 = arith.ori %parallel_loop3A_404, %iota3A_231 : vector<16xi32>
      tpu.vector_store_idx %arg6[%parallel_loop3A_409], %parallel_loop3A_406 masked %parallel_loop3A_408 : memref<32768xf32, #tpu.memory_space<vmem>>[vector<16xi32>], vector<16xf32>, vector<16xi1>
      %parallel_loop3A_410 = arith.constant 16 : i32
      %parallel_loop3A_411 = arith.constant 0 : i32
      %parallel_loop3A_412 = vector.broadcast %parallel_loop3A_410 : i32 to vector<16xi32>
      %parallel_loop3A_413 = vector.broadcast %parallel_loop3A_411 : i32 to vector<16xi32>
      %parallel_loop3A_414 = arith.select %parallel_loop3A_408, %parallel_loop3A_412, %parallel_loop3A_413 : vector<16xi1>, vector<16xi32>
      %parallel_loop3A_415 = arith.addi %parallel_loop3A_404, %parallel_loop3A_414 : vector<16xi32>
      scf.yield %parallel_loop3A_415 : vector<16xi32>
    } {sc.loop_unroll_factor = 8 : i64, sc.parallel_access}
    %reduce_max3A_238 = arith.constant true
    %reduce_max3A_239 = vector.broadcast %reduce_max3A_238 : i1 to vector<16xi1>
    %reduce_max3A_240 = arith.constant -2147483648 : i32
    %reduce_max3A_241 = vector.broadcast %reduce_max3A_240 : i32 to vector<16xi32>
    %reduce_max3A_242 = arith.xori %parallel_loop3A_237, %reduce_max3A_241 : vector<16xi32>
    %reduce_max3A_243 = tpu.scan <max>, %reduce_max3A_242 masked %reduce_max3A_239 : vector<16xi32>, vector<16xi1> -> vector<16xi32>
    %reduce_max3A_244 = arith.xori %reduce_max3A_243, %reduce_max3A_241 : vector<16xi32>
    %reduce_max3A_245 = vector.extract %reduce_max3A_244[15] : i32 from vector<16xi32>
    %jit3A_246 = arith.constant 16 : i32
    %div3A_247 = arith.divsi %reduce_max3A_245, %jit3A_246 : i32
    %sign3A_248 = arith.constant 0 : i32
    %sign3A_249 = arith.cmpi sgt, %reduce_max3A_245, %sign3A_248 : i32
    %sign3A_250 = arith.extui %sign3A_249 : i1 to i32
    %sign3A_251 = arith.constant 0 : i32
    %sign3A_252 = arith.cmpi slt, %reduce_max3A_245, %sign3A_251 : i32
    %sign3A_253 = arith.extui %sign3A_252 : i1 to i32
    %sign3A_254 = arith.subi %sign3A_250, %sign3A_253 : i32
    %sign3A_255 = arith.constant 0 : i32
    %sign3A_256 = arith.cmpi sgt, %jit3A_246, %sign3A_255 : i32
    %sign3A_257 = arith.extui %sign3A_256 : i1 to i32
    %sign3A_258 = arith.constant 0 : i32
    %sign3A_259 = arith.cmpi slt, %jit3A_246, %sign3A_258 : i32
    %sign3A_260 = arith.extui %sign3A_259 : i1 to i32
    %sign3A_261 = arith.subi %sign3A_257, %sign3A_260 : i32
    %ne3A_262 = arith.cmpi ne, %sign3A_254, %sign3A_261 : i32
    %rem3A_263 = arith.remsi %reduce_max3A_245, %jit3A_246 : i32
    %ne3A_264 = arith.constant 0 : i32
    %ne3A_265 = arith.cmpi ne, %rem3A_263, %ne3A_264 : i32
    %and3A_266 = arith.andi %ne3A_262, %ne3A_265 : i1
    %sub3A_267 = arith.constant 1 : i32
    %sub3A_268 = arith.subi %div3A_247, %sub3A_267 : i32
    %select_n3A_269 = arith.select %and3A_266, %sub3A_268, %div3A_247 : i32
    %while3A_270 = arith.constant 0 : i32
    %while3A_271 = arith.constant 0 : i32
    %while3A_272 = arith.subi %select_n3A_269, %while3A_271 : i32
    %while3A_273 = arith.addi %while3A_271, %while3A_272 : i32
    %while3A_274 = arith.constant 1 : i32
    %while3A_275 = arith.divsi %while3A_272, %while3A_274 : i32
    %while3A_276 = arith.muli %while3A_275, %while3A_274 : i32
    %while3A_277 = arith.addi %while3A_271, %while3A_276 : i32
    %while3A_278 = arith.constant 1 : i32
    scf.for %while3A_403 = %while3A_271 to %while3A_277 step %while3A_278  : i32 {
      %mul3A_404 = arith.constant 16 : i32
      %mul3A_405 = arith.muli %while3A_403, %mul3A_404 : i32
      %add3A_406 = vector.broadcast %mul3A_405 : i32 to vector<16xi32>
      %add3A_407 = arith.addi %add3A_406, %iota3A_231 : vector<16xi32>
      %broadcast_in_dim3A_408 = arith.constant -3.000000e+38 : f32
      %broadcast_in_dim3A_409 = vector.broadcast %broadcast_in_dim3A_408 : f32 to vector<16xf32>
      %mul3A_410 = arith.constant 16 : i32
      %mul3A_411 = arith.muli %while3A_403, %mul3A_410 : i32
      %le3A = vector.broadcast %mul3A_411 : i32 to vector<16xi32>
      %le3A_412 = arith.cmpi sle, %parallel_loop3A_237, %le3A : vector<16xi32>
      tpu.vector_store_idx %arg6[%add3A_407], %broadcast_in_dim3A_409 masked %le3A_412 : memref<32768xf32, #tpu.memory_space<vmem>>[vector<16xi32>], vector<16xf32>, vector<16xi1>
    }
    %while3A_279 = arith.constant 1 : i32
    scf.for %while3A_403 = %while3A_277 to %while3A_273 step %while3A_279  : i32 {
      %mul3A_404 = arith.constant 16 : i32
      %mul3A_405 = arith.muli %while3A_403, %mul3A_404 : i32
      %add3A_406 = vector.broadcast %mul3A_405 : i32 to vector<16xi32>
      %add3A_407 = arith.addi %add3A_406, %iota3A_231 : vector<16xi32>
      %broadcast_in_dim3A_408 = arith.constant -3.000000e+38 : f32
      %broadcast_in_dim3A_409 = vector.broadcast %broadcast_in_dim3A_408 : f32 to vector<16xf32>
      %mul3A_410 = arith.constant 16 : i32
      %mul3A_411 = arith.muli %while3A_403, %mul3A_410 : i32
      %le3A = vector.broadcast %mul3A_411 : i32 to vector<16xi32>
      %le3A_412 = arith.cmpi sle, %parallel_loop3A_237, %le3A : vector<16xi32>
      tpu.vector_store_idx %arg6[%add3A_407], %broadcast_in_dim3A_409 masked %le3A_412 : memref<32768xf32, #tpu.memory_space<vmem>>[vector<16xi32>], vector<16xf32>, vector<16xi1>
    }
    %broadcast_in_dim3A_280 = vector.broadcast %sub3A_230 : f32 to vector<16xf32>
    %broadcast_in_dim3A_281 = vector.broadcast %reduce_max3A_228 : f32 to vector<16xf32>
    %scan3A_282 = arith.constant 0 : i32
    %scan3A_283 = arith.constant 12 : i32
    %scan3A_284 = arith.addi %scan3A_282, %scan3A_283 : i32
    %scan3A_285 = arith.constant 1 : i32
    %scan3A_286:4 = scf.for %scan3A_403 = %scan3A_282 to %scan3A_284 step %scan3A_285 iter_args(%scan3A_404 = %broadcast_in_dim3A_280, %scan3A_405 = %broadcast_in_dim3A_280, %scan3A_406 = %broadcast_in_dim3A_281, %scan3A_407 = %broadcast_in_dim3A_280) -> (vector<16xf32>, vector<16xf32>, vector<16xf32>, vector<16xf32>)  : i32 {
      %broadcast_in_dim3A_408 = arith.constant 0.000000e+00 : f32
      %broadcast_in_dim3A_409 = vector.broadcast %broadcast_in_dim3A_408 : f32 to vector<16xf32>
      %broadcast_in_dim3A_410 = arith.constant 0.000000e+00 : f32
      %broadcast_in_dim3A_411 = vector.broadcast %broadcast_in_dim3A_410 : f32 to vector<16xf32>
      %while3A_412 = arith.constant 0 : i32
      %while3A_413 = arith.subi %select_n3A_269, %while3A_412 : i32
      %while3A_414 = arith.addi %while3A_412, %while3A_413 : i32
      %while3A_415 = arith.constant 1 : i32
      %while3A_416 = arith.divsi %while3A_413, %while3A_415 : i32
      %while3A_417 = arith.muli %while3A_416, %while3A_415 : i32
      %while3A_418 = arith.addi %while3A_412, %while3A_417 : i32
      %while3A_419 = arith.constant 1 : i32
      %while3A_420:2 = scf.for %while3A_448 = %while3A_412 to %while3A_418 step %while3A_419 iter_args(%while3A_449 = %broadcast_in_dim3A_409, %while3A_450 = %broadcast_in_dim3A_411) -> (vector<16xf32>, vector<16xf32>)  : i32 {
        %mul3A_451 = arith.constant 16 : i32
        %mul3A_452 = arith.muli %while3A_448, %mul3A_451 : i32
        %get3A = arith.index_cast %mul3A_452 : i32 to index
        %get3A_453 = tpu.vector_load %arg6[%get3A] {strides = array<i32>} : memref<32768xf32, #tpu.memory_space<vmem>>, vector<16xf32>,
        %sub3A_454 = arith.subf %get3A_453, %scan3A_404 : vector<16xf32>
        %gt3A_455 = arith.constant 0.000000e+00 : f32
        %gt3A_456 = vector.broadcast %gt3A_455 : f32 to vector<16xf32>
        %gt3A_457 = arith.cmpf ogt, %sub3A_454, %gt3A_456 : vector<16xf32>
        %max3A_458 = arith.constant 0.000000e+00 : f32
        %max3A_459 = vector.broadcast %max3A_458 : f32 to vector<16xf32>
        %max3A_460 = arith.maximumf %sub3A_454, %max3A_459 : vector<16xf32>
        %add3A_461 = arith.addf %while3A_449, %max3A_460 : vector<16xf32>
        %jit3A_462 = arith.constant 1.000000e+00 : f32
        %jit3A_463 = arith.constant 0.000000e+00 : f32
        %broadcast_in_dim3A_464 = vector.broadcast %jit3A_462 : f32 to vector<16xf32>
        %broadcast_in_dim3A_465 = vector.broadcast %jit3A_463 : f32 to vector<16xf32>
        %select_n3A_466 = arith.select %gt3A_457, %broadcast_in_dim3A_464, %broadcast_in_dim3A_465 : vector<16xi1>, vector<16xf32>
        %add3A_467 = arith.addf %while3A_450, %select_n3A_466 : vector<16xf32>
        scf.yield %add3A_461, %add3A_467 : vector<16xf32>, vector<16xf32>
      }
      %while3A_421 = arith.constant 1 : i32
      %while3A_422:2 = scf.for %while3A_448 = %while3A_418 to %while3A_414 step %while3A_421 iter_args(%while3A_449 = %while3A_420#0, %while3A_450 = %while3A_420#1) -> (vector<16xf32>, vector<16xf32>)  : i32 {
        %mul3A_451 = arith.constant 16 : i32
        %mul3A_452 = arith.muli %while3A_448, %mul3A_451 : i32
        %get3A = arith.index_cast %mul3A_452 : i32 to index
        %get3A_453 = tpu.vector_load %arg6[%get3A] {strides = array<i32>} : memref<32768xf32, #tpu.memory_space<vmem>>, vector<16xf32>,
        %sub3A_454 = arith.subf %get3A_453, %scan3A_404 : vector<16xf32>
        %gt3A_455 = arith.constant 0.000000e+00 : f32
        %gt3A_456 = vector.broadcast %gt3A_455 : f32 to vector<16xf32>
        %gt3A_457 = arith.cmpf ogt, %sub3A_454, %gt3A_456 : vector<16xf32>
        %max3A_458 = arith.constant 0.000000e+00 : f32
        %max3A_459 = vector.broadcast %max3A_458 : f32 to vector<16xf32>
        %max3A_460 = arith.maximumf %sub3A_454, %max3A_459 : vector<16xf32>
        %add3A_461 = arith.addf %while3A_449, %max3A_460 : vector<16xf32>
        %jit3A_462 = arith.constant 1.000000e+00 : f32
        %jit3A_463 = arith.constant 0.000000e+00 : f32
        %broadcast_in_dim3A_464 = vector.broadcast %jit3A_462 : f32 to vector<16xf32>
        %broadcast_in_dim3A_465 = vector.broadcast %jit3A_463 : f32 to vector<16xf32>
        %select_n3A_466 = arith.select %gt3A_457, %broadcast_in_dim3A_464, %broadcast_in_dim3A_465 : vector<16xi1>, vector<16xf32>
        %add3A_467 = arith.addf %while3A_450, %select_n3A_466 : vector<16xf32>
        scf.yield %add3A_461, %add3A_467 : vector<16xf32>, vector<16xf32>
      }
      %reduce_sum3A = arith.constant true
      %reduce_sum3A_423 = vector.broadcast %reduce_sum3A : i1 to vector<16xi1>
      %reduce_sum3A_424 = tpu.scan <sum>, %while3A_422#0 masked %reduce_sum3A_423 : vector<16xf32>, vector<16xi1> -> vector<16xf32>
      %reduce_sum3A_425 = vector.extract %reduce_sum3A_424[15] : f32 from vector<16xf32>
      %sub3A_426 = arith.constant 1.000000e+00 : f32
      %sub3A_427 = arith.subf %reduce_sum3A_425, %sub3A_426 : f32
      %broadcast_in_dim3A_428 = vector.broadcast %sub3A_427 : f32 to vector<16xf32>
      %reduce_sum3A_429 = arith.constant true
      %reduce_sum3A_430 = vector.broadcast %reduce_sum3A_429 : i1 to vector<16xi1>
      %reduce_sum3A_431 = tpu.scan <sum>, %while3A_422#1 masked %reduce_sum3A_430 : vector<16xf32>, vector<16xi1> -> vector<16xf32>
      %reduce_sum3A_432 = vector.extract %reduce_sum3A_431[15] : f32 from vector<16xf32>
      %max3A = arith.constant 1.000000e+00 : f32
      %max3A_433 = arith.maximumf %reduce_sum3A_432, %max3A : f32
      %broadcast_in_dim3A_434 = vector.broadcast %max3A_433 : f32 to vector<16xf32>
      %div3A_435 = arith.divf %broadcast_in_dim3A_428, %broadcast_in_dim3A_434 : vector<16xf32>
      %add3A_436 = arith.addf %scan3A_404, %div3A_435 : vector<16xf32>
      %ge3A = arith.constant 0.000000e+00 : f32
      %ge3A_437 = vector.broadcast %ge3A : f32 to vector<16xf32>
      %ge3A_438 = arith.cmpf oge, %broadcast_in_dim3A_428, %ge3A_437 : vector<16xf32>
      %select_n3A_439 = arith.select %ge3A_438, %scan3A_404, %scan3A_405 : vector<16xi1>, vector<16xf32>
      %select_n3A_440 = arith.select %ge3A_438, %scan3A_406, %scan3A_404 : vector<16xi1>, vector<16xf32>
      %select_n3A_441 = arith.select %ge3A_438, %add3A_436, %scan3A_407 : vector<16xi1>, vector<16xf32>
      %add3A_442 = arith.addf %select_n3A_439, %select_n3A_440 : vector<16xf32>
      %mul3A_443 = arith.constant 5.000000e-01 : f32
      %mul3A_444 = vector.broadcast %mul3A_443 : f32 to vector<16xf32>
      %mul3A_445 = arith.mulf %mul3A_444, %add3A_442 : vector<16xf32>
      %gt3A = arith.cmpf ogt, %add3A_436, %select_n3A_439 : vector<16xf32>
      %lt3A = arith.cmpf olt, %add3A_436, %select_n3A_440 : vector<16xf32>
      %and3A_446 = arith.andi %gt3A, %lt3A : vector<16xi1>
      %select_n3A_447 = arith.select %and3A_446, %add3A_436, %mul3A_445 : vector<16xi1>, vector<16xf32>
      scf.yield %select_n3A_447, %select_n3A_439, %select_n3A_440, %select_n3A_441 : vector<16xf32>, vector<16xf32>, vector<16xf32>, vector<16xf32>
    }
    %scan3A_287 = arith.constant 12 : i32
    %parallel_loop3A_288 = arith.constant 0 : i32
    %parallel_loop3A_289 = arith.constant 32768 : i32
    %parallel_loop3A_290 = arith.constant 16 : i32
    scf.for %parallel_loop3A_403 = %parallel_loop3A_288 to %parallel_loop3A_289 step %parallel_loop3A_290  : i32 {
      %parallel_loop3A_404 = arith.index_cast %parallel_loop3A_403 : i32 to index
      %parallel_loop3A_405 = tpu.vector_load %arg4[%parallel_loop3A_404] {strides = array<i32>} : memref<32768xf32, #tpu.memory_space<vmem>>, vector<16xf32>,
      %parallel_loop3A_406 = arith.subf %parallel_loop3A_405, %scan3A_286#3 : vector<16xf32>
      %parallel_loop3A_407 = arith.constant 0.000000e+00 : f32
      %parallel_loop3A_408 = vector.broadcast %parallel_loop3A_407 : f32 to vector<16xf32>
      %parallel_loop3A_409 = arith.maximumf %parallel_loop3A_406, %parallel_loop3A_408 : vector<16xf32>
      %parallel_loop3A_410 = arith.index_cast %parallel_loop3A_403 : i32 to index
      %parallel_loop3A_411 = tpu.vector_load %arg4[%parallel_loop3A_410] {strides = array<i32>} : memref<32768xf32, #tpu.memory_space<vmem>>, vector<16xf32>,
      tpu.vector_store %arg4[%parallel_loop3A_410], %parallel_loop3A_409 {strides = array<i32>} : memref<32768xf32, #tpu.memory_space<vmem>>, vector<16xf32>,
    } {sc.loop_unroll_factor = 8 : i64, sc.parallel_access}
    %add3A_291 = arith.constant 2 : i32
    %add3A_292 = arith.addi %mul3A_2, %add3A_291 : i32
    %dma_start3A_293 = arith.constant 0 : i32
    %dma_start3A_294 = tpu.memref_slice %arg3[%add3A_292, %dma_start3A_293] : memref<128x32768xf32, #tpu.memory_space<hbm>> -> memref<1x32768xf32, #tpu.memory_space<hbm>>
    %dma_start3A_295 = tpu.memref_squeeze %dma_start3A_294 : memref<1x32768xf32, #tpu.memory_space<hbm>> -> memref<32768xf32, #tpu.memory_space<hbm>>
    %dma_start3A_296 = arith.constant 0 : i32
    %dma_start3A_297 = tpu.memref_slice %arg3[%add3A_292, %dma_start3A_296] : memref<128x32768xf32, #tpu.memory_space<hbm>> -> memref<1x32768xf32, #tpu.memory_space<hbm>>
    %dma_start3A_298 = tpu.memref_squeeze %dma_start3A_297 : memref<1x32768xf32, #tpu.memory_space<hbm>> -> memref<32768xf32, #tpu.memory_space<hbm>>
    tpu.enqueue_dma source(%arg4 : memref<32768xf32, #tpu.memory_space<vmem>>) target(%dma_start3A_298 : memref<32768xf32, #tpu.memory_space<hbm>>) target_semaphore(%arg9 : memref<!tpu.dma_semaphore, #tpu.memory_space<semaphore_mem>>)
    %add3A_299 = arith.constant 3 : i32
    %add3A_300 = arith.addi %mul3A_2, %add3A_299 : i32
    %dma_wait3A_301 = arith.constant 0 : i32
    %dma_wait3A_302 = tpu.memref_slice %arg2[%add3A_300, %dma_wait3A_301] : memref<128x32768xf32, #tpu.memory_space<hbm>> -> memref<1x32768xf32, #tpu.memory_space<hbm>>
    %dma_wait3A_303 = tpu.memref_squeeze %dma_wait3A_302 : memref<1x32768xf32, #tpu.memory_space<hbm>> -> memref<32768xf32, #tpu.memory_space<hbm>>
    %dma_wait3A_304 = arith.constant 0 : i32
    %dma_wait3A_305 = tpu.memref_slice %arg2[%add3A_300, %dma_wait3A_304] : memref<128x32768xf32, #tpu.memory_space<hbm>> -> memref<1x32768xf32, #tpu.memory_space<hbm>>
    %dma_wait3A_306 = tpu.memref_squeeze %dma_wait3A_305 : memref<1x32768xf32, #tpu.memory_space<hbm>> -> memref<32768xf32, #tpu.memory_space<hbm>>
    tpu.wait_dma2 semaphore(%arg8 : memref<!tpu.dma_semaphore, #tpu.memory_space<semaphore_mem>>) src(%dma_wait3A_306 : memref<32768xf32, #tpu.memory_space<hbm>>) dst(%arg5 : memref<32768xf32, #tpu.memory_space<vmem>>)
    %broadcast_in_dim3A_307 = arith.constant -3.000000e+38 : f32
    %broadcast_in_dim3A_308 = vector.broadcast %broadcast_in_dim3A_307 : f32 to vector<16xf32>
    %parallel_loop3A_309 = arith.constant 0 : i32
    %parallel_loop3A_310 = arith.constant 32768 : i32
    %parallel_loop3A_311 = arith.constant 16 : i32
    %parallel_loop3A_312 = scf.for %parallel_loop3A_403 = %parallel_loop3A_309 to %parallel_loop3A_310 step %parallel_loop3A_311 iter_args(%parallel_loop3A_404 = %broadcast_in_dim3A_308) -> (vector<16xf32>)  : i32 {
      %parallel_loop3A_405 = arith.index_cast %parallel_loop3A_403 : i32 to index
      %parallel_loop3A_406 = tpu.vector_load %arg5[%parallel_loop3A_405] {strides = array<i32>} : memref<32768xf32, #tpu.memory_space<vmem>>, vector<16xf32>,
      %parallel_loop3A_407 = arith.maximumf %parallel_loop3A_404, %parallel_loop3A_406 : vector<16xf32>
      scf.yield %parallel_loop3A_407 : vector<16xf32>
    } {sc.loop_unroll_factor = 8 : i64, sc.parallel_access}
    %reduce_max3A_313 = arith.constant true
    %reduce_max3A_314 = vector.broadcast %reduce_max3A_313 : i1 to vector<16xi1>
    %reduce_max3A_315 = tpu.scan <max>, %parallel_loop3A_312 masked %reduce_max3A_314 : vector<16xf32>, vector<16xi1> -> vector<16xf32>
    %reduce_max3A_316 = vector.extract %reduce_max3A_315[15] : f32 from vector<16xf32>
    %sub3A_317 = arith.constant 1.000000e+00 : f32
    %sub3A_318 = arith.subf %reduce_max3A_316, %sub3A_317 : f32
    %iota3A_319 = tpu.iota {dimensions = array<i32: 0>} : vector<16xi32>
    %broadcast_in_dim3A_320 = arith.constant 0 : i32
    %broadcast_in_dim3A_321 = vector.broadcast %broadcast_in_dim3A_320 : i32 to vector<16xi32>
    %parallel_loop3A_322 = arith.constant 0 : i32
    %parallel_loop3A_323 = arith.constant 32768 : i32
    %parallel_loop3A_324 = arith.constant 16 : i32
    %parallel_loop3A_325 = scf.for %parallel_loop3A_403 = %parallel_loop3A_322 to %parallel_loop3A_323 step %parallel_loop3A_324 iter_args(%parallel_loop3A_404 = %broadcast_in_dim3A_321) -> (vector<16xi32>)  : i32 {
      %parallel_loop3A_405 = arith.index_cast %parallel_loop3A_403 : i32 to index
      %parallel_loop3A_406 = tpu.vector_load %arg5[%parallel_loop3A_405] {strides = array<i32>} : memref<32768xf32, #tpu.memory_space<vmem>>, vector<16xf32>,
      %parallel_loop3A_407 = vector.broadcast %sub3A_318 : f32 to vector<16xf32>
      %parallel_loop3A_408 = arith.cmpf ogt, %parallel_loop3A_406, %parallel_loop3A_407 : vector<16xf32>
      %parallel_loop3A_409 = arith.ori %parallel_loop3A_404, %iota3A_319 : vector<16xi32>
      tpu.vector_store_idx %arg6[%parallel_loop3A_409], %parallel_loop3A_406 masked %parallel_loop3A_408 : memref<32768xf32, #tpu.memory_space<vmem>>[vector<16xi32>], vector<16xf32>, vector<16xi1>
      %parallel_loop3A_410 = arith.constant 16 : i32
      %parallel_loop3A_411 = arith.constant 0 : i32
      %parallel_loop3A_412 = vector.broadcast %parallel_loop3A_410 : i32 to vector<16xi32>
      %parallel_loop3A_413 = vector.broadcast %parallel_loop3A_411 : i32 to vector<16xi32>
      %parallel_loop3A_414 = arith.select %parallel_loop3A_408, %parallel_loop3A_412, %parallel_loop3A_413 : vector<16xi1>, vector<16xi32>
      %parallel_loop3A_415 = arith.addi %parallel_loop3A_404, %parallel_loop3A_414 : vector<16xi32>
      scf.yield %parallel_loop3A_415 : vector<16xi32>
    } {sc.loop_unroll_factor = 8 : i64, sc.parallel_access}
    %reduce_max3A_326 = arith.constant true
    %reduce_max3A_327 = vector.broadcast %reduce_max3A_326 : i1 to vector<16xi1>
    %reduce_max3A_328 = arith.constant -2147483648 : i32
    %reduce_max3A_329 = vector.broadcast %reduce_max3A_328 : i32 to vector<16xi32>
    %reduce_max3A_330 = arith.xori %parallel_loop3A_325, %reduce_max3A_329 : vector<16xi32>
    %reduce_max3A_331 = tpu.scan <max>, %reduce_max3A_330 masked %reduce_max3A_327 : vector<16xi32>, vector<16xi1> -> vector<16xi32>
    %reduce_max3A_332 = arith.xori %reduce_max3A_331, %reduce_max3A_329 : vector<16xi32>
    %reduce_max3A_333 = vector.extract %reduce_max3A_332[15] : i32 from vector<16xi32>
    %jit3A_334 = arith.constant 16 : i32
    %div3A_335 = arith.divsi %reduce_max3A_333, %jit3A_334 : i32
    %sign3A_336 = arith.constant 0 : i32
    %sign3A_337 = arith.cmpi sgt, %reduce_max3A_333, %sign3A_336 : i32
    %sign3A_338 = arith.extui %sign3A_337 : i1 to i32
    %sign3A_339 = arith.constant 0 : i32
    %sign3A_340 = arith.cmpi slt, %reduce_max3A_333, %sign3A_339 : i32
    %sign3A_341 = arith.extui %sign3A_340 : i1 to i32
    %sign3A_342 = arith.subi %sign3A_338, %sign3A_341 : i32
    %sign3A_343 = arith.constant 0 : i32
    %sign3A_344 = arith.cmpi sgt, %jit3A_334, %sign3A_343 : i32
    %sign3A_345 = arith.extui %sign3A_344 : i1 to i32
    %sign3A_346 = arith.constant 0 : i32
    %sign3A_347 = arith.cmpi slt, %jit3A_334, %sign3A_346 : i32
    %sign3A_348 = arith.extui %sign3A_347 : i1 to i32
    %sign3A_349 = arith.subi %sign3A_345, %sign3A_348 : i32
    %ne3A_350 = arith.cmpi ne, %sign3A_342, %sign3A_349 : i32
    %rem3A_351 = arith.remsi %reduce_max3A_333, %jit3A_334 : i32
    %ne3A_352 = arith.constant 0 : i32
    %ne3A_353 = arith.cmpi ne, %rem3A_351, %ne3A_352 : i32
    %and3A_354 = arith.andi %ne3A_350, %ne3A_353 : i1
    %sub3A_355 = arith.constant 1 : i32
    %sub3A_356 = arith.subi %div3A_335, %sub3A_355 : i32
    %select_n3A_357 = arith.select %and3A_354, %sub3A_356, %div3A_335 : i32
    %while3A_358 = arith.constant 0 : i32
    %while3A_359 = arith.constant 0 : i32
    %while3A_360 = arith.subi %select_n3A_357, %while3A_359 : i32
    %while3A_361 = arith.addi %while3A_359, %while3A_360 : i32
    %while3A_362 = arith.constant 1 : i32
    %while3A_363 = arith.divsi %while3A_360, %while3A_362 : i32
    %while3A_364 = arith.muli %while3A_363, %while3A_362 : i32
    %while3A_365 = arith.addi %while3A_359, %while3A_364 : i32
    %while3A_366 = arith.constant 1 : i32
    scf.for %while3A_403 = %while3A_359 to %while3A_365 step %while3A_366  : i32 {
      %mul3A_404 = arith.constant 16 : i32
      %mul3A_405 = arith.muli %while3A_403, %mul3A_404 : i32
      %add3A_406 = vector.broadcast %mul3A_405 : i32 to vector<16xi32>
      %add3A_407 = arith.addi %add3A_406, %iota3A_319 : vector<16xi32>
      %broadcast_in_dim3A_408 = arith.constant -3.000000e+38 : f32
      %broadcast_in_dim3A_409 = vector.broadcast %broadcast_in_dim3A_408 : f32 to vector<16xf32>
      %mul3A_410 = arith.constant 16 : i32
      %mul3A_411 = arith.muli %while3A_403, %mul3A_410 : i32
      %le3A = vector.broadcast %mul3A_411 : i32 to vector<16xi32>
      %le3A_412 = arith.cmpi sle, %parallel_loop3A_325, %le3A : vector<16xi32>
      tpu.vector_store_idx %arg6[%add3A_407], %broadcast_in_dim3A_409 masked %le3A_412 : memref<32768xf32, #tpu.memory_space<vmem>>[vector<16xi32>], vector<16xf32>, vector<16xi1>
    }
    %while3A_367 = arith.constant 1 : i32
    scf.for %while3A_403 = %while3A_365 to %while3A_361 step %while3A_367  : i32 {
      %mul3A_404 = arith.constant 16 : i32
      %mul3A_405 = arith.muli %while3A_403, %mul3A_404 : i32
      %add3A_406 = vector.broadcast %mul3A_405 : i32 to vector<16xi32>
      %add3A_407 = arith.addi %add3A_406, %iota3A_319 : vector<16xi32>
      %broadcast_in_dim3A_408 = arith.constant -3.000000e+38 : f32
      %broadcast_in_dim3A_409 = vector.broadcast %broadcast_in_dim3A_408 : f32 to vector<16xf32>
      %mul3A_410 = arith.constant 16 : i32
      %mul3A_411 = arith.muli %while3A_403, %mul3A_410 : i32
      %le3A = vector.broadcast %mul3A_411 : i32 to vector<16xi32>
      %le3A_412 = arith.cmpi sle, %parallel_loop3A_325, %le3A : vector<16xi32>
      tpu.vector_store_idx %arg6[%add3A_407], %broadcast_in_dim3A_409 masked %le3A_412 : memref<32768xf32, #tpu.memory_space<vmem>>[vector<16xi32>], vector<16xf32>, vector<16xi1>
    }
    %broadcast_in_dim3A_368 = vector.broadcast %sub3A_318 : f32 to vector<16xf32>
    %broadcast_in_dim3A_369 = vector.broadcast %reduce_max3A_316 : f32 to vector<16xf32>
    %scan3A_370 = arith.constant 0 : i32
    %scan3A_371 = arith.constant 12 : i32
    %scan3A_372 = arith.addi %scan3A_370, %scan3A_371 : i32
    %scan3A_373 = arith.constant 1 : i32
    %scan3A_374:4 = scf.for %scan3A_403 = %scan3A_370 to %scan3A_372 step %scan3A_373 iter_args(%scan3A_404 = %broadcast_in_dim3A_368, %scan3A_405 = %broadcast_in_dim3A_368, %scan3A_406 = %broadcast_in_dim3A_369, %scan3A_407 = %broadcast_in_dim3A_368) -> (vector<16xf32>, vector<16xf32>, vector<16xf32>, vector<16xf32>)  : i32 {
      %broadcast_in_dim3A_408 = arith.constant 0.000000e+00 : f32
      %broadcast_in_dim3A_409 = vector.broadcast %broadcast_in_dim3A_408 : f32 to vector<16xf32>
      %broadcast_in_dim3A_410 = arith.constant 0.000000e+00 : f32
      %broadcast_in_dim3A_411 = vector.broadcast %broadcast_in_dim3A_410 : f32 to vector<16xf32>
      %while3A_412 = arith.constant 0 : i32
      %while3A_413 = arith.subi %select_n3A_357, %while3A_412 : i32
      %while3A_414 = arith.addi %while3A_412, %while3A_413 : i32
      %while3A_415 = arith.constant 1 : i32
      %while3A_416 = arith.divsi %while3A_413, %while3A_415 : i32
      %while3A_417 = arith.muli %while3A_416, %while3A_415 : i32
      %while3A_418 = arith.addi %while3A_412, %while3A_417 : i32
      %while3A_419 = arith.constant 1 : i32
      %while3A_420:2 = scf.for %while3A_448 = %while3A_412 to %while3A_418 step %while3A_419 iter_args(%while3A_449 = %broadcast_in_dim3A_409, %while3A_450 = %broadcast_in_dim3A_411) -> (vector<16xf32>, vector<16xf32>)  : i32 {
        %mul3A_451 = arith.constant 16 : i32
        %mul3A_452 = arith.muli %while3A_448, %mul3A_451 : i32
        %get3A = arith.index_cast %mul3A_452 : i32 to index
        %get3A_453 = tpu.vector_load %arg6[%get3A] {strides = array<i32>} : memref<32768xf32, #tpu.memory_space<vmem>>, vector<16xf32>,
        %sub3A_454 = arith.subf %get3A_453, %scan3A_404 : vector<16xf32>
        %gt3A_455 = arith.constant 0.000000e+00 : f32
        %gt3A_456 = vector.broadcast %gt3A_455 : f32 to vector<16xf32>
        %gt3A_457 = arith.cmpf ogt, %sub3A_454, %gt3A_456 : vector<16xf32>
        %max3A_458 = arith.constant 0.000000e+00 : f32
        %max3A_459 = vector.broadcast %max3A_458 : f32 to vector<16xf32>
        %max3A_460 = arith.maximumf %sub3A_454, %max3A_459 : vector<16xf32>
        %add3A_461 = arith.addf %while3A_449, %max3A_460 : vector<16xf32>
        %jit3A_462 = arith.constant 1.000000e+00 : f32
        %jit3A_463 = arith.constant 0.000000e+00 : f32
        %broadcast_in_dim3A_464 = vector.broadcast %jit3A_462 : f32 to vector<16xf32>
        %broadcast_in_dim3A_465 = vector.broadcast %jit3A_463 : f32 to vector<16xf32>
        %select_n3A_466 = arith.select %gt3A_457, %broadcast_in_dim3A_464, %broadcast_in_dim3A_465 : vector<16xi1>, vector<16xf32>
        %add3A_467 = arith.addf %while3A_450, %select_n3A_466 : vector<16xf32>
        scf.yield %add3A_461, %add3A_467 : vector<16xf32>, vector<16xf32>
      }
      %while3A_421 = arith.constant 1 : i32
      %while3A_422:2 = scf.for %while3A_448 = %while3A_418 to %while3A_414 step %while3A_421 iter_args(%while3A_449 = %while3A_420#0, %while3A_450 = %while3A_420#1) -> (vector<16xf32>, vector<16xf32>)  : i32 {
        %mul3A_451 = arith.constant 16 : i32
        %mul3A_452 = arith.muli %while3A_448, %mul3A_451 : i32
        %get3A = arith.index_cast %mul3A_452 : i32 to index
        %get3A_453 = tpu.vector_load %arg6[%get3A] {strides = array<i32>} : memref<32768xf32, #tpu.memory_space<vmem>>, vector<16xf32>,
        %sub3A_454 = arith.subf %get3A_453, %scan3A_404 : vector<16xf32>
        %gt3A_455 = arith.constant 0.000000e+00 : f32
        %gt3A_456 = vector.broadcast %gt3A_455 : f32 to vector<16xf32>
        %gt3A_457 = arith.cmpf ogt, %sub3A_454, %gt3A_456 : vector<16xf32>
        %max3A_458 = arith.constant 0.000000e+00 : f32
        %max3A_459 = vector.broadcast %max3A_458 : f32 to vector<16xf32>
        %max3A_460 = arith.maximumf %sub3A_454, %max3A_459 : vector<16xf32>
        %add3A_461 = arith.addf %while3A_449, %max3A_460 : vector<16xf32>
        %jit3A_462 = arith.constant 1.000000e+00 : f32
        %jit3A_463 = arith.constant 0.000000e+00 : f32
        %broadcast_in_dim3A_464 = vector.broadcast %jit3A_462 : f32 to vector<16xf32>
        %broadcast_in_dim3A_465 = vector.broadcast %jit3A_463 : f32 to vector<16xf32>
        %select_n3A_466 = arith.select %gt3A_457, %broadcast_in_dim3A_464, %broadcast_in_dim3A_465 : vector<16xi1>, vector<16xf32>
        %add3A_467 = arith.addf %while3A_450, %select_n3A_466 : vector<16xf32>
        scf.yield %add3A_461, %add3A_467 : vector<16xf32>, vector<16xf32>
      }
      %reduce_sum3A = arith.constant true
      %reduce_sum3A_423 = vector.broadcast %reduce_sum3A : i1 to vector<16xi1>
      %reduce_sum3A_424 = tpu.scan <sum>, %while3A_422#0 masked %reduce_sum3A_423 : vector<16xf32>, vector<16xi1> -> vector<16xf32>
      %reduce_sum3A_425 = vector.extract %reduce_sum3A_424[15] : f32 from vector<16xf32>
      %sub3A_426 = arith.constant 1.000000e+00 : f32
      %sub3A_427 = arith.subf %reduce_sum3A_425, %sub3A_426 : f32
      %broadcast_in_dim3A_428 = vector.broadcast %sub3A_427 : f32 to vector<16xf32>
      %reduce_sum3A_429 = arith.constant true
      %reduce_sum3A_430 = vector.broadcast %reduce_sum3A_429 : i1 to vector<16xi1>
      %reduce_sum3A_431 = tpu.scan <sum>, %while3A_422#1 masked %reduce_sum3A_430 : vector<16xf32>, vector<16xi1> -> vector<16xf32>
      %reduce_sum3A_432 = vector.extract %reduce_sum3A_431[15] : f32 from vector<16xf32>
      %max3A = arith.constant 1.000000e+00 : f32
      %max3A_433 = arith.maximumf %reduce_sum3A_432, %max3A : f32
      %broadcast_in_dim3A_434 = vector.broadcast %max3A_433 : f32 to vector<16xf32>
      %div3A_435 = arith.divf %broadcast_in_dim3A_428, %broadcast_in_dim3A_434 : vector<16xf32>
      %add3A_436 = arith.addf %scan3A_404, %div3A_435 : vector<16xf32>
      %ge3A = arith.constant 0.000000e+00 : f32
      %ge3A_437 = vector.broadcast %ge3A : f32 to vector<16xf32>
      %ge3A_438 = arith.cmpf oge, %broadcast_in_dim3A_428, %ge3A_437 : vector<16xf32>
      %select_n3A_439 = arith.select %ge3A_438, %scan3A_404, %scan3A_405 : vector<16xi1>, vector<16xf32>
      %select_n3A_440 = arith.select %ge3A_438, %scan3A_406, %scan3A_404 : vector<16xi1>, vector<16xf32>
      %select_n3A_441 = arith.select %ge3A_438, %add3A_436, %scan3A_407 : vector<16xi1>, vector<16xf32>
      %add3A_442 = arith.addf %select_n3A_439, %select_n3A_440 : vector<16xf32>
      %mul3A_443 = arith.constant 5.000000e-01 : f32
      %mul3A_444 = vector.broadcast %mul3A_443 : f32 to vector<16xf32>
      %mul3A_445 = arith.mulf %mul3A_444, %add3A_442 : vector<16xf32>
      %gt3A = arith.cmpf ogt, %add3A_436, %select_n3A_439 : vector<16xf32>
      %lt3A = arith.cmpf olt, %add3A_436, %select_n3A_440 : vector<16xf32>
      %and3A_446 = arith.andi %gt3A, %lt3A : vector<16xi1>
      %select_n3A_447 = arith.select %and3A_446, %add3A_436, %mul3A_445 : vector<16xi1>, vector<16xf32>
      scf.yield %select_n3A_447, %select_n3A_439, %select_n3A_440, %select_n3A_441 : vector<16xf32>, vector<16xf32>, vector<16xf32>, vector<16xf32>
    }
    %scan3A_375 = arith.constant 12 : i32
    %parallel_loop3A_376 = arith.constant 0 : i32
    %parallel_loop3A_377 = arith.constant 32768 : i32
    %parallel_loop3A_378 = arith.constant 16 : i32
    scf.for %parallel_loop3A_403 = %parallel_loop3A_376 to %parallel_loop3A_377 step %parallel_loop3A_378  : i32 {
      %parallel_loop3A_404 = arith.index_cast %parallel_loop3A_403 : i32 to index
      %parallel_loop3A_405 = tpu.vector_load %arg5[%parallel_loop3A_404] {strides = array<i32>} : memref<32768xf32, #tpu.memory_space<vmem>>, vector<16xf32>,
      %parallel_loop3A_406 = arith.subf %parallel_loop3A_405, %scan3A_374#3 : vector<16xf32>
      %parallel_loop3A_407 = arith.constant 0.000000e+00 : f32
      %parallel_loop3A_408 = vector.broadcast %parallel_loop3A_407 : f32 to vector<16xf32>
      %parallel_loop3A_409 = arith.maximumf %parallel_loop3A_406, %parallel_loop3A_408 : vector<16xf32>
      %parallel_loop3A_410 = arith.index_cast %parallel_loop3A_403 : i32 to index
      %parallel_loop3A_411 = tpu.vector_load %arg5[%parallel_loop3A_410] {strides = array<i32>} : memref<32768xf32, #tpu.memory_space<vmem>>, vector<16xf32>,
      tpu.vector_store %arg5[%parallel_loop3A_410], %parallel_loop3A_409 {strides = array<i32>} : memref<32768xf32, #tpu.memory_space<vmem>>, vector<16xf32>,
    } {sc.loop_unroll_factor = 8 : i64, sc.parallel_access}
    %add3A_379 = arith.constant 3 : i32
    %add3A_380 = arith.addi %mul3A_2, %add3A_379 : i32
    %dma_start3A_381 = arith.constant 0 : i32
    %dma_start3A_382 = tpu.memref_slice %arg3[%add3A_380, %dma_start3A_381] : memref<128x32768xf32, #tpu.memory_space<hbm>> -> memref<1x32768xf32, #tpu.memory_space<hbm>>
    %dma_start3A_383 = tpu.memref_squeeze %dma_start3A_382 : memref<1x32768xf32, #tpu.memory_space<hbm>> -> memref<32768xf32, #tpu.memory_space<hbm>>
    %dma_start3A_384 = arith.constant 0 : i32
    %dma_start3A_385 = tpu.memref_slice %arg3[%add3A_380, %dma_start3A_384] : memref<128x32768xf32, #tpu.memory_space<hbm>> -> memref<1x32768xf32, #tpu.memory_space<hbm>>
    %dma_start3A_386 = tpu.memref_squeeze %dma_start3A_385 : memref<1x32768xf32, #tpu.memory_space<hbm>> -> memref<32768xf32, #tpu.memory_space<hbm>>
    tpu.enqueue_dma source(%arg5 : memref<32768xf32, #tpu.memory_space<vmem>>) target(%dma_start3A_386 : memref<32768xf32, #tpu.memory_space<hbm>>) target_semaphore(%arg10 : memref<!tpu.dma_semaphore, #tpu.memory_space<semaphore_mem>>)
    %add3A_387 = arith.constant 2 : i32
    %add3A_388 = arith.addi %mul3A_2, %add3A_387 : i32
    %dma_wait3A_389 = arith.constant 0 : i32
    %dma_wait3A_390 = tpu.memref_slice %arg3[%add3A_388, %dma_wait3A_389] : memref<128x32768xf32, #tpu.memory_space<hbm>> -> memref<1x32768xf32, #tpu.memory_space<hbm>>
    %dma_wait3A_391 = tpu.memref_squeeze %dma_wait3A_390 : memref<1x32768xf32, #tpu.memory_space<hbm>> -> memref<32768xf32, #tpu.memory_space<hbm>>
    %dma_wait3A_392 = arith.constant 0 : i32
    %dma_wait3A_393 = tpu.memref_slice %arg3[%add3A_388, %dma_wait3A_392] : memref<128x32768xf32, #tpu.memory_space<hbm>> -> memref<1x32768xf32, #tpu.memory_space<hbm>>
    %dma_wait3A_394 = tpu.memref_squeeze %dma_wait3A_393 : memref<1x32768xf32, #tpu.memory_space<hbm>> -> memref<32768xf32, #tpu.memory_space<hbm>>
    tpu.wait_dma2 semaphore(%arg9 : memref<!tpu.dma_semaphore, #tpu.memory_space<semaphore_mem>>) src(%arg4 : memref<32768xf32, #tpu.memory_space<vmem>>) dst(%dma_wait3A_394 : memref<32768xf32, #tpu.memory_space<hbm>>)
    %add3A_395 = arith.constant 3 : i32
    %add3A_396 = arith.addi %mul3A_2, %add3A_395 : i32
    %dma_wait3A_397 = arith.constant 0 : i32
    %dma_wait3A_398 = tpu.memref_slice %arg3[%add3A_396, %dma_wait3A_397] : memref<128x32768xf32, #tpu.memory_space<hbm>> -> memref<1x32768xf32, #tpu.memory_space<hbm>>
    %dma_wait3A_399 = tpu.memref_squeeze %dma_wait3A_398 : memref<1x32768xf32, #tpu.memory_space<hbm>> -> memref<32768xf32, #tpu.memory_space<hbm>>
    %dma_wait3A_400 = arith.constant 0 : i32
    %dma_wait3A_401 = tpu.memref_slice %arg3[%add3A_396, %dma_wait3A_400] : memref<128x32768xf32, #tpu.memory_space<hbm>> -> memref<1x32768xf32, #tpu.memory_space<hbm>>
    %dma_wait3A_402 = tpu.memref_squeeze %dma_wait3A_401 : memref<1x32768xf32, #tpu.memory_space<hbm>> -> memref<32768xf32, #tpu.memory_space<hbm>>
    tpu.wait_dma2 semaphore(%arg10 : memref<!tpu.dma_semaphore, #tpu.memory_space<semaphore_mem>>) src(%arg5 : memref<32768xf32, #tpu.memory_space<vmem>>) dst(%dma_wait3A_402 : memref<32768xf32, #tpu.memory_space<hbm>>)
    return
  }
}

</mosaic_0001>

<sc_bundles>
// kernel: kernel.3.cloned.1.call-start
scs
__scs_entry_jumppad:
0x0: {  	(pc) =	sbr.rel $0x88, $3  }
0x1: {  	(tag) =	ssettag $0x0;
	lr =	simm.s32 $0x1  }
0x2: {  	[smem:$0x3FA0] =	sst lr;
	_ =	strace $0xD0000000  }
0x3: {  	_ = 	snop  }
0x4: {  	_ = 	snop  }
0x5: {  	_ = 	snop  }
0x6: {  	_ = 	snop  }
0x7: {  	_ = 	snop  }
__scs_overlays_trampoline_lowered:
0x8: {  	[smem:$0x3FAF] =	sst s0  }
0x9: {  	[smem:$0x3FB0] =	sst s1  }
0xa: {  	[smem:$0x3FB1] =	sst s2  }
0xb: {  	[smem:$0x3FB2] =	sst s3  }
0xc: {  	[smem:$0x3FB3] =	sst s4  }
0xd: {  	[smem:$0x3FB4] =	sst s5  }
0xe: {  	[smem:$0x3FB5] =	sst s6  }
0xf: {  	[smem:$0x3FB6] =	sst s7  }
0x10: {  	[smem:$0x3FB7] =	sst s8  }
0x11: {  	[smem:$0x3FB8] =	sst s9;
	s0 =	simm.s32 @!p0 $0x0  }
0x12: {  	s1 =	sld [smem:$0x3F9E];
	s0 =	simm.s32 @p0 $0x1  }
0x13: {  	[smem:$0x3FB9] =	sst s0;
	s0 =	simm.s32 @!p1 $0x0  }
0x14: {  	s2 =	sld [smem:$0x3F9D];
	s0 =	simm.s32 @p1 $0x1  }
0x15: {  	[smem:$0x3FBA] =	sst s0;
	s0 =	simm.s32 @!p2 $0x0  }
0x16: {  	s3 =	sld [smem:$0x3FDB];
	s0 =	simm.s32 @p2 $0x1  }
0x17: {  	s4 =	simm.s32 $0x1BF5;
	[smem:$0x3FBC] =	sst s0  }
0x18: {  	s0 =	sld [smem:$0x3F9F];
	_ =	swait.ge [sflag:s4], $0x0  }
0x19: {  	s7 =	sld [smem:$0x3FA0]  }
0x1a: {  	s8 =	sadd.s32 $0xFFFFE003, lr  }
0x1b: {  	s9 =	sadd.s32 $0xFFFFFEF7, lr;
	s5 =	simm.s32 $0xFFFFFFFF;
	p2 =	slt.u32 s8, $0xFFFFF086  }
0x1c: {  	p1 =	slt.u32 s9, $0xF7A;
	s5 =	simm.s32 @!p2 $0x0  }
0x1d: {  	s5 =	simm.s32 @p1 $0x1;
	p0 =	seq.s32 s7, s2  }
0x1e: {  	s7 =	smul.u32 @!p0 $0xF7A, s2;
	p2 =	seq.s32 @!p0 s5, $0x0  }
0x1f: {  	s9 =	smul.u32 $0xF7A, s1;
	s8 =	simm.s32 @!p0 $0x1BF5;
	p2 =	por !p2, p0  }
0x20: {  	[sflag:s8] =	ssyncset.s32 @!p0 $0xFFFFF086;
	s6 =	sadd.s32 @!p0 s3, s7;
	s7 =	simm.s32 @!p0 $0x108  }
0x21: {  	s3 =	sadd.s32 s3, s9;
	s6 =	sadd.s32 @!p0 $0x88, s6;
	s7 =	simm.s32 @p2 $0x1082  }
0x22: {  	[simem:s7], [sflag:s8] =	dma.local @!p0 [hbm:s6], $0xF7A  }
0x23: {  	s9 =	sor.u32 $0xD0000000, s2;
	s6 =	simm.s32 $0x108;
	_ =	swait.ge @!p0 [sflag:s8], $0x0  }
0x24: {  	s3 =	sadd.s32 $0x88, s3;
	s6 =	simm.s32 @!p1 $0x1082;
	[sflag:s4] =	ssyncset.s32 $0xFFFFF086  }
0x25: {  	[simem:s6], [sflag:s4] =	dma.local [hbm:s3], $0xF7A  }
0x26: {  	[smem:$0x3FA0] =	sst s1;
	(tag) =	ssettag s2;
	_ =	strace s9  }
0x27: {  	s1 =	sld [smem:$0x3FB0]  }
0x28: {  	s2 =	sld [smem:$0x3FB1]  }
0x29: {  	s4 =	sld [smem:$0x3FB3]  }
0x2a: {  	p0 =	seq.s32 s5, $0x0;
	s5 =	sld [smem:$0x3FB4]  }
0x2b: {  	s6 =	sld [smem:$0x3FB5]  }
0x2c: {  	s7 =	sld [smem:$0x3FB6]  }
0x2d: {  	s3 =	simm.s32 $0x108;
	s8 =	sld [smem:$0x3FB7]  }
0x2e: {  	s3 =	simm.s32 @!p0 $0x1082;
	s9 =	sld [smem:$0x3FB8]  }
0x2f: {  	lr =	sadd.s32 s0, s3;
	s0 =	sld [smem:$0x3FAF]  }
0x30: {  	s3 =	sld [smem:$0x3FB2]  }
0x31: {  	[smem:$0x3FBB] =	sst s10  }
0x32: {  	s10 =	sld [smem:$0x3FB9];
	_ =	sdelay $0x3  }
0x33: {  	p0 =	seq.s32 s10, $0x1;
	s10 =	sld [smem:$0x3FBB];
	_ =	sdelay $0x3  }
0x34: {  	[smem:$0x3FBB] =	sst s10  }
0x35: {  	s10 =	sld [smem:$0x3FBA];
	_ =	sdelay $0x3  }
0x36: {  	p1 =	seq.s32 s10, $0x1;
	s10 =	sld [smem:$0x3FBB];
	_ =	sdelay $0x3  }
0x37: {  	[smem:$0x3FBB] =	sst s10  }
0x38: {  	s10 =	sld [smem:$0x3FBC]  }
0x39: {  	_ = 	snop;
	(pc) =	sbr.ind lr, $3  }
0x3a: {  	_ = 	snop  }
0x3b: {  	_ = 	snop  }
0x3c: {  	p2 =	seq.s32 s10, $0x1;
	s10 =	sld [smem:$0x3FBB]  }
0x3d: {  	_ =	shalt  }
0x3e: {  	_ =	shalt  }
0x3f: {  	_ =	shalt  }
0x40: {  	_ =	shalt  }
0x41: {  	_ =	shalt  }
0x42: {  	_ =	shalt  }
0x43: {  	_ =	shalt  }
0x44: {  	_ =	shalt  }
0x45: {  	_ =	shalt  }
0x46: {  	_ =	shalt  }
0x47: {  	_ =	shalt  }
0x48: {  	_ =	shalt  }
0x49: {  	_ =	shalt  }
0x4a: {  	_ =	shalt  }
0x4b: {  	_ =	shalt  }
0x4c: {  	_ =	shalt  }
0x4d: {  	_ =	shalt  }
0x4e: {  	_ =	shalt  }
0x4f: {  	_ =	shalt  }
0x50: {  	_ =	shalt  }
0x51: {  	_ =	shalt  }
0x52: {  	_ =	shalt  }
0x53: {  	_ =	shalt  }
0x54: {  	_ =	shalt  }
0x55: {  	_ =	shalt  }
0x56: {  	_ =	shalt  }
0x57: {  	_ =	shalt  }
0x58: {  	_ =	shalt  }
0x59: {  	_ =	shalt  }
0x5a: {  	_ =	shalt  }
0x5b: {  	_ =	shalt  }
0x5c: {  	_ =	shalt  }
0x5d: {  	_ =	shalt  }
0x5e: {  	_ =	shalt  }
0x5f: {  	_ =	shalt  }
0x60: {  	_ =	shalt  }
0x61: {  	_ =	shalt  }
0x62: {  	_ =	shalt  }
0x63: {  	_ =	shalt  }
0x64: {  	_ =	shalt  }
0x65: {  	_ =	shalt  }
0x66: {  	_ =	shalt  }
0x67: {  	_ =	shalt  }
0x68: {  	_ =	shalt  }
0x69: {  	_ =	shalt  }
0x6a: {  	_ =	shalt  }
0x6b: {  	_ =	shalt  }
0x6c: {  	_ =	shalt  }
0x6d: {  	_ =	shalt  }
0x6e: {  	_ =	shalt  }
0x6f: {  	_ =	shalt  }
0x70: {  	_ =	shalt  }
0x71: {  	_ =	shalt  }
0x72: {  	_ =	shalt  }
0x73: {  	_ =	shalt  }
0x74: {  	_ =	shalt  }
0x75: {  	_ =	shalt  }
0x76: {  	_ =	shalt  }
0x77: {  	_ =	shalt  }
0x78: {  	_ =	shalt  }
0x79: {  	_ =	shalt  }
0x7a: {  	_ =	shalt  }
0x7b: {  	_ =	shalt  }
0x7c: {  	_ =	shalt  }
0x7d: {  	_ =	shalt  }
0x7e: {  	_ =	shalt  }
0x7f: {  	_ =	shalt  }
0x80: {  	_ =	shalt  }
0x81: {  	_ =	shalt  }
0x82: {  	_ =	shalt  }
0x83: {  	_ =	shalt  }
0x84: {  	_ =	shalt  }
0x85: {  	_ =	shalt  }
0x86: {  	_ =	shalt  }
0x87: {  	_ =	shalt  }
.Lfunc_end0:
.L_simem_size_0:
called_computation_lowered:
.L_overlay_start_0:
0x88: {  	s2 =	sld [smem:$0x3FD9]  }
0x89: {  	s3 =	sld [smem:$0x3FFE];
	_ =	sdelay $0x1  }
0x8a: {  	s1 =	srdreg.scid  }
0x8b: {  	s0 =	sand.u32 $0x1, s1  }
0x8c: {  	s18 =	sshll.u32 s0, $0xA;
	s2 =	sadd.s32 s3, s2  }
0x8d: {  	s2 =	sadd.s32 s2, s18  }
0x8e: {  	[smem:$0x3FC7] =	sst s2  }
0x8f: {  	_ = 	snop  }
0x90: {  	s2 =	sld [smem:$0x3FC9]  }
0x91: {  	s19 =	sld [smem:$0x3FD0];
	(tm) =	ssettm $0x1  }
0x92: {  	s4 =	sld [smem:$0x3FFB];
	_ =	sdelay $0x3  }
0x93: {  	_ =	strace s4  }
0x94: {  	s4 =	sld [smem:$0x3FFC];
	_ =	sdelay $0x3  }
0x95: {  	_ =	strace s4  }
0x96: {  	s4 =	sld [smem:$0x3FFD];
	_ =	sdelay $0x3  }
0x97: {  	_ =	strace s4  }
0x98: {  	_ =	strace $0x8FFFFFFF  }
0x99: {  	s20 =	sld [smem:$0x3FDB];
	_ =	sdelay $0x1  }
0x9a: {  	s5 =	simm.s32 $_scs_section_size  }
0x9b: {  	s6 =	simm.s32 $_size__tile_overlayer_lowered;
	s7 =	simm.s32 $_tile_overlayer_lowered  }
0x9c: {  	s23 =	simm.s32 $0x1BFF;
	s22 =	sshll.u32 s7, $0x1;
	s4 =	sadd.s32 s5, s20  }
0x9d: {  	s8 =	simm.s32 $0x0;
	s21 =	sshll.u32 s6, $0x1;
	s6 =	sadd.s32 s22, s4  }
0x9e: {  	[timem:s8], [sflag:s23] =	dma.local [hbm:s6], s21  }
0x9f: {  	_ =	swait.ge [sflag:s23], s21  }
0xa0: {  	s5 =	ssub.s32 $0x0, s21;
	[sflag:s23] =	ssyncset.done $0x0  }
0xa1: {  	[sflag:s23] =	ssyncadd.s32 s5;
	_ =	sdelay $0x1  }
0xa2: {  	s24 =	simm.s32 $0x1B8B  }
0xa3: {  	_ =	swait.ge [sflag:s24], $0x1  }
0xa4: {  	[sflag:s24] =	ssyncset.done $0x0  }
0xa5: {  	s25 =	simm.s32 $0x1B8E;
	[sflag:s24] =	ssyncadd.s32 $0xFFFFFFFF  }
0xa6: {  	s26 =	simm.s32 $execute0_lowered;
	[smem:$0x3FD2] =	sst s25  }
0xa7: {  	s5 =	sshll.u32 s26, $0x1;
	_ =	strace $0x80000046;
	[dreg:$0x1] =	wrdreg $0xFFFFFFFF  }
0xa8: {  	s28 =	simm.s32 $_size_execute0_lowered;
	s4 =	sadd.s32 s4, s5;
	[dreg:$0x0] =	wrdreg $0x0  }
0xa9: {  	s5 =	sshll.u32 s28, $0x1;
	[dreg:$0x2] =	wrdreg s4  }
0xaa: {  	[dreg:$0x3] =	wrdreg s5  }
0xab: {  	[dreg:$0x4] =	wrdreg $0xC0  }
0xac: {  	_ =	task [dreg:s8], $0x5FFFF  }
0xad: {  	[dreg:$0x1] =	wrdreg $0xFFFFFFFF  }
0xae: {  	[dreg:$0x0] =	wrdreg $0x60  }
0xaf: {  	[dreg:$0x2] =	wrdreg s2  }
0xb0: {  	[dreg:$0x3] =	wrdreg s19  }
0xb1: {  	[dreg:$0x4] =	wrdreg $0x9  }
0xb2: {  	_ =	task.clear_ibuf [dreg:s8], $0x5FFFF;
	_ =	strace $0x90000046  }
0xb3: {  	s29 =	simm.s32 $0x9;
	_ =	strace $0x80000048  }
0xb4: {  	_ =	swait.ge [sflag:s29], $0x1  }
0xb5: {  	[sflag:s29] =	ssyncadd.s32 $0xFFFFFFFF  }
0xb6: {  	_ =	strace $0x90000048  }
0xb7: {  	_ =	sfence  }
0xb8: {  	s30 =	sld [smem:$0x0];
	_ =	sdelay $0x2  }
0xb9: {  	s31 =	sshll.u32 s1, $0xD;
	s1 =	sshrl.u32 s1, $0x2  }
0xba: {  	s3 =	sand.u32 $0x4000, s31;
	s1 =	sadd.s32 s1, s30  }
0xbb: {  	s0 =	sor.u32 s3, s0;
	s1 =	sshll.u32 s1, $0x11  }
0xbc: {  	s0 =	sor.u32 s1, s0  }
0xbd: {  	s0 =	sadd.s32 $0x8F2B, s0  }
0xbe: {  	[sflag:s0] =	ssyncadd.remote.s32 $0x1  }
0xbf: {  	_ =	sfence.sel $0xFFFF  }
0xc0: {  	[dreg:$0x0] =	wrdreg $0xFFFFFFFF;
	(pc) =	sbr.abs _section_cstart, $3  }
0xc1: {  	[dreg:$0x1] =	wrdreg $0xFFFFFFFF  }
0xc2: {  	_ =	task.clear_ibuf [dreg:s8], $0x2FFFF;
	_ =	strace $0x9FFFFFFF  }
0xc3: {  	(tm) =	ssettm $0x7FFFFFFF  }
tec
execute0_lowered:
.L_overlay_start_1:
0x0: {  	(tag) =	ssettag $0x1  }
0x1: {  	s8 =	rddreg [dreg:$0x0]  }
0x2: {  	s10 =	rddreg [dreg:$0x1];
	s2 =	srdreg.scid  }
0x3: {  	s0 =	rddreg [dreg:$0x2];
	s1 =	stileid.u32;
	s13 =	simm.s32 $0x400  }
0x4: {  	s14 =	simm.s32 $0x8000;
	s15 =	simm.s32 $0x1;
	s16 =	simm.s32 $0x10000  }
0x5: {  	s17 =	simm.s32 $0x3;
	s18 =	simm.s32 $0x2;
	s19 =	simm.s32 $0x4  }
0x6: {  	s20 =	simm.s32 $0x0;
	s3 =	sand.u32 $0x1, s2;
	s2 =	simm.s32 $0x0  }
0x7: {  	s4 =	sshll.u32 s1, $0xF;
	s5 =	sshll.u32 s3, $0x6;
	s3 =	ssub.s32 $0x2, s3  }
0x8: {  	[smem:$0x7FF] =	sst s2;
	s6 =	sor.u32 s5, s4;
	s31 =	sshrl.u32 s3, $0x1  }
0x9: {  	_ =	strace $0x80000047;
	s7 =	sor.u32 $0x10, s6;
	s11 =	ssub.s32 s3, s31  }
0xa: {  	s3 =	sadd.s32 s8, s6;
	s5 =	sadd.s32 s10, s6;
	s9 =	sor.u32 $0x20, s6  }
0xb: {  	s12 =	sor.u32 $0x30, s6;
	s4 =	sadd.s32 s8, s7;
	s6 =	sadd.s32 s8, s9  }
0xc: {  	v0 =	vlaneseq.u32;
	s7 =	sadd.s32 s10, s7;
	s8 =	sadd.s32 s8, s12;
	s9 =	sadd.s32 s10, s9  }
0xd: {  	v1 =	vimm.s32 $0x0;
	v2 =	vimm.f32 $-3.000000010e+38;
	v3 =	vimm.f32 $0.0e+00;
	s10 =	sadd.s32 s10, s12;
	s11 =	smax.u32 s11, $0x1;
	s12 =	simm.s32 $0x80  }
.LBB2_1:
0xe: {  	[tilespmem:s2], [sflag:$0x1] =	stream.strided.gather [hbm4b:s3+s12], $0x8000, s13, s12, $0x38;
	[tilespmem:$0x18000] =	vst v63  }
0xf: {  	_ = 	snop  }
0x10: {  	[tilespmem:s14], [sflag:$0x2] =	stream.strided.gather [hbm4b:s4+s12], $0x8000, s13, s12, $0x38;
	[tilespmem:$0x18000] =	vst v63  }
0x11: {  	_ =	swait.ge [sflag:s15], $0x8000  }
0x12: {  	[sflag:s15] =	ssyncset.done $0x0  }
0x13: {  	s22 =	simm.s32 $0x40;
	[sflag:s15] =	ssyncadd.s32 $0xFFFF8000  }
0x14: {  	v6 =	vld [tilespmem:s22+$0xFFFFFFC0]  }
0x15: {  	v7 =	vld [tilespmem:s22+$0xFFFFFFD0]  }
0x16: {  	v8 =	vld [tilespmem:s22+$0xFFFFFFE0]  }
0x17: {  	v5 =	vld [tilespmem:s22+$0xFFFFFFF0]  }
0x18: {  	v4 =	vld [tilespmem:s22+$0x0]  }
0x19: {  	v9 =	vmax.f32 v2, v6;
	v6 =	vld [tilespmem:s22+$0x10]  }
0x1a: {  	v9 =	vmax.f32 v9, v7;
	v7 =	vld [tilespmem:s22+$0x20]  }
0x1b: {  	s21 =	simm.s32 $0x0;
	v9 =	vmax.f32 v9, v8;
	v8 =	vld [tilespmem:s22+$0x30];
	s22 =	simm.s32 $0xC0  }
.LBB2_2:
0x1c: {  	v10 =	vld [tilespmem:s22+$0xFFFFFFC0];
	s21 =	sadd.s32 $0x80, s21;
	v5 =	vmax.f32 v9, v5  }
0x1d: {  	v9 =	vld [tilespmem:s22+$0xFFFFFFD0];
	p0 =	slt.u32 s21, $0x7F80;
	v4 =	vmax.f32 v5, v4  }
0x1e: {  	v11 =	vld [tilespmem:s22+$0xFFFFFFE0];
	v4 =	vmax.f32 v4, v6  }
.Ltmp0:
0x1f: {  	v5 =	vld [tilespmem:s22+$0xFFFFFFF0];
	v6 =	vmax.f32 v4, v7;
	(pc) =	sbr.rel @p0 .LBB2_2-.Ltmp0, $4  }
0x20: {  	v4 =	vld [tilespmem:s22+$0x0];
	v6 =	vmax.f32 v6, v8  }
0x21: {  	v7 =	vmax.f32 v6, v10;
	v6 =	vld [tilespmem:s22+$0x10]  }
0x22: {  	v8 =	vmax.f32 v7, v9;
	v7 =	vld [tilespmem:s22+$0x20]  }
0x23: {  	v9 =	vmax.f32 v8, v11;
	v8 =	vld [tilespmem:s22+$0x30];
	s22 =	sadd.s32 $0x80, s22  }
0x24: {  	v5 =	vmax.f32 v9, v5  }
0x25: {  	v4 =	vmax.f32 v5, v4  }
0x26: {  	v4 =	vmax.f32 v4, v6  }
0x27: {  	v4 =	vmax.f32 v4, v7  }
0x28: {  	v4 =	vmax.f32 v4, v8  }
0x29: {  	(xrf0) =	vmax.scan.msk.f32 $0xffff, v4;
	_ =	sdelay $0x5  }
0x2a: {  	v5, _, _ =	vpop (xrf0)  }
0x2b: {  	(v2sf) =	vpush v5, $0xF;
	_ =	sdelay $0xc  }
0x2c: {  	s21 =	simm.s32 $0x40  }
0x2d: {  	v8 =	vld [tilespmem:s21+$0xFFFFFFC0]  }
0x2e: {  	v7 =	vld [tilespmem:s21+$0xFFFFFFD0];
	s22 =	spop (v2sf)  }
0x2f: {  	v9 =	vld [tilespmem:s21+$0xFFFFFFE0];
	s22 =	sadd.f32 $-1.000000000e+00, s22  }
0x30: {  	v13 =	vld [tilespmem:s21+$0xFFFFFFF0]  }
0x31: {  	v17 =	vld [tilespmem:s21+$0x0];
	v4 =	vmov s22  }
0x32: {  	v25 =	vld [tilespmem:s21+$0x10];
	v6 =	vimm.s32 $0x0;
	vm3 =	vgt.f32 v8, v4  }
0x33: {  	v10 =	vor.u32 v0, v6;
	vm1 =	vgt.f32 v7, v4;
	v11 =	vsel vm3, $0x10, v1  }
0x34: {  	v15 =	vld [tilespmem:s21+$0x20];
	vm2 =	vgt.f32 v9, v4;
	v11 =	vadd.s32 v6, v11;
	v6 =	vsel vm1, $0x10, v1  }
0x35: {  	vm4 =	vgt.f32 v13, v4;
	v14 =	vadd.s32 v11, v6;
	v6 =	vsel vm2, $0x10, v1  }
0x36: {  	vm0 =	vgt.f32 v17, v4;
	v18 =	vadd.s32 v14, v6;
	v6 =	vsel vm4, $0x10, v1  }
0x37: {  	v16 =	vld [tilespmem:s21+$0x30];
	vm7 =	vgt.f32 v25, v4;
	v19 =	vadd.s32 v18, v6;
	v6 =	vsel vm0, $0x10, v1  }
0x38: {  	v20 =	vadd.s32 v19, v6;
	v6 =	vsel vm7, $0x10, v1  }
0x39: {  	vm6 =	vgt.f32 v15, v4;
	v6 =	vadd.s32 v20, v6  }
0x3a: {  	s21 =	simm.s32 $0xC0;
	v24 =	vor.u32 v0, v6  }
0x3b: {  	v12 =	vld [tilespmem:s21+$0xFFFFFFC0];
	v21 =	vsel vm6, $0x10, v1  }
0x3c: {  	vm8 =	vgt.f32 v16, v4;
	v27 =	vor.u32 v0, v20;
	v21 =	vadd.s32 v6, v21;
	v6 =	vld [tilespmem:s21+$0xFFFFFFD0]  }
0x3d: {  	[tilespmem:v10+s16+$0x0] =	vst.idx.msk vm3, v8;
	v10 =	vsel vm8, $0x10, v1;
	v8 =	vld [tilespmem:s21+$0xFFFFFFE0];
	v26 =	vor.u32 v0, v21  }
0x3e: {  	vm5 =	vmmov vm4;
	v23 =	vor.u32 v0, v19;
	v28 =	vadd.s32 v21, v10;
	v10 =	vld [tilespmem:s21+$0xFFFFFFF0]  }
0x3f: {  	v22 =	vor.u32 v0, v18;
	v21 =	vor.u32 v0, v11;
	v11 =	vld [tilespmem:s21+$0x0];
	[tilespmem:v24+s16+$0x0] =	vst.idx.msk vm6, v15;
	vm6 =	vmmov vm2  }
0x40: {  	vm4 =	vmmov vm1;
	vm3 =	vgt.f32 v12, v4;
	v20 =	vor.u32 v0, v14;
	v14 =	vld [tilespmem:s21+$0x10]  }
0x41: {  	v18 =	vsel vm3, $0x10, v1;
	v19 =	vor.u32 v0, v28;
	[tilespmem:v27+s16+$0x0] =	vst.idx.msk vm7, v25;
	vm1 =	vgt.f32 v6, v4;
	v15 =	vld [tilespmem:s21+$0x20]  }
0x42: {  	s22 =	simm.s32 $0x80;
	v18 =	vadd.s32 v28, v18;
	vm2 =	vgt.f32 v8, v4;
	[tilespmem:v26+s16+$0x0] =	vst.idx.msk vm8, v16;
	v24 =	vsel vm1, $0x10, v1;
	v16 =	vld [tilespmem:s21+$0x30]  }
.LBB2_4:
0x43: {  	s22 =	sadd.s32 $0x80, s22;
	v24 =	vadd.s32 v18, v24;
	v25 =	vsel vm2, $0x10, v1;
	vm8 =	vgt.f32 v10, v4;
	[tilespmem:v23+s16+$0x0] =	vst.idx.msk vm0, v17  }
0x44: {  	p0 =	slt.u32 s22, $0x7F80;
	v17 =	vadd.s32 v24, v25;
	v23 =	vsel vm8, $0x10, v1;
	vm0 =	vgt.f32 v11, v4;
	[tilespmem:v22+s16+$0x0] =	vst.idx.msk vm5, v13  }
0x45: {  	v23 =	vadd.s32 v17, v23;
	v13 =	vsel vm0, $0x10, v1;
	vm7 =	vgt.f32 v14, v4;
	[tilespmem:v20+s16+$0x0] =	vst.idx.msk vm6, v9  }
0x46: {  	v13 =	vadd.s32 v23, v13;
	v26 =	vsel vm7, $0x10, v1;
	vm9 =	vgt.f32 v15, v4;
	[tilespmem:v21+s16+$0x0] =	vst.idx.msk vm4, v7  }
0x47: {  	s21 =	sadd.s32 $0x80, s21;
	[tilespmem:v19+s16+$0x0] =	vst.idx.msk vm3, v12;
	v21 =	vadd.s32 v13, v26;
	v22 =	vsel vm9, $0x10, v1;
	vm10 =	vgt.f32 v16, v4  }
0x48: {  	v9 =	vmovc v8;
	v7 =	vmovc v6;
	v12 =	vld [tilespmem:s21+$0xFFFFFFC0];
	v25 =	vor.u32 v0, v21;
	v19 =	vadd.s32 v21, v22;
	v20 =	vsel vm10, $0x10, v1  }
0x49: {  	v26 =	vor.u32 v0, v13;
	v6 =	vld [tilespmem:s21+$0xFFFFFFD0];
	v27 =	vor.u32 v0, v19;
	v28 =	vadd.s32 v19, v20;
	v13 =	vmovc v10  }
0x4a: {  	v23 =	vor.u32 v0, v23;
	v22 =	vor.u32 v0, v17;
	v17 =	vmovc v11;
	v20 =	vor.u32 v0, v24;
	v8 =	vld [tilespmem:s21+$0xFFFFFFE0]  }
.Ltmp1:
0x4b: {  	vm5 =	vmmov vm8;
	v29 =	vmovc v14;
	v21 =	vor.u32 v0, v18;
	v19 =	vor.u32 v0, v28;
	v10 =	vld [tilespmem:s21+$0xFFFFFFF0];
	(pc) =	sbr.rel @p0 .LBB2_4-.Ltmp1, $4  }
0x4c: {  	vm6 =	vmmov vm2;
	vm4 =	vmmov vm1;
	v11 =	vld [tilespmem:s21+$0x0]  }
0x4d: {  	vm3 =	vgt.f32 v12, v4;
	v14 =	vld [tilespmem:s21+$0x10];
	[tilespmem:v25+s16+$0x0] =	vst.idx.msk vm9, v15  }
0x4e: {  	v18 =	vsel vm3, $0x10, v1;
	vm1 =	vgt.f32 v6, v4;
	v15 =	vld [tilespmem:s21+$0x20];
	[tilespmem:v27+s16+$0x0] =	vst.idx.msk vm10, v16  }
0x4f: {  	v18 =	vadd.s32 v28, v18;
	v24 =	vsel vm1, $0x10, v1;
	vm2 =	vgt.f32 v8, v4;
	v16 =	vld [tilespmem:s21+$0x30];
	[tilespmem:v26+s16+$0x0] =	vst.idx.msk vm7, v29  }
0x50: {  	v25 =	vadd.s32 v18, v24;
	v24 =	vsel vm2, $0x10, v1;
	vm9 =	vgt.f32 v10, v4  }
0x51: {  	v26 =	vadd.s32 v25, v24;
	v24 =	vsel vm9, $0x10, v1;
	vm7 =	vgt.f32 v11, v4  }
0x52: {  	v27 =	vadd.s32 v26, v24;
	v24 =	vsel vm7, $0x10, v1;
	vm8 =	vgt.f32 v14, v4  }
0x53: {  	v28 =	vadd.s32 v27, v24;
	v24 =	vsel vm8, $0x10, v1;
	vm10 =	vgt.f32 v15, v4  }
0x54: {  	v29 =	vadd.s32 v28, v24;
	v24 =	vsel vm10, $0x10, v1;
	vm11 =	vgt.f32 v16, v4  }
0x55: {  	v30 =	vadd.s32 v29, v24;
	v24 =	vsel vm11, $0x10, v1  }
0x56: {  	v24 =	vadd.s32 v30, v24  }
0x57: {  	v31 =	vxor.u32 $0x80000000, v24  }
0x58: {  	(xrf0) =	vmax.scan.msk.u32 $0xffff, v31;
	_ =	sdelay $0x5  }
0x59: {  	v31, _, _ =	vpop (xrf0)  }
0x5a: {  	(v2sf) =	vpush v31, $0xF;
	_ =	sdelay $0xe  }
0x5b: {  	s21 =	spop (v2sf)  }
0x5c: {  	vm15 =	vmmov vm2;
	s22 =	sxor.u32 $0x80000000, s21  }
0x5d: {  	[tilespmem:v23+s16+$0x0] =	vst.idx.msk vm0, v17;
	vm1 =	vmmov vm1;
	v62 =	vor.u32 v0, v25;
	p1 =	sgt.s32 s21, $0xFFFFFFFF;
	s21 =	sand.u32 $0xF, s21;
	p0 =	slt.s32 s22, $0x1  }
0x5e: {  	[tilespmem:v22+s16+$0x0] =	vst.idx.msk vm5, v13;
	v63 =	vor.u32 v0, v18;
	s23 =	sshra.s32 s22, $0x1F;
	p6 =	sne.s32 s21, $0x0;
	p0 =	por p1, p0  }
0x5f: {  	[tilespmem:v20+s16+$0x0] =	vst.idx.msk vm6, v9;
	v61 =	vor.u32 v0, v26;
	s31 =	sshrl.u32 s23, $0x1C;
	p0 =	por !p6, !p0  }
0x60: {  	[tilespmem:v21+s16+$0x0] =	vst.idx.msk vm4, v7;
	v7 =	vor.u32 v0, v27;
	s21 =	sadd.s32 s31, s22;
	s22 =	simm.s32 $0x1;
	p0 =	por !p0, !p0  }
0x61: {  	[tilespmem:v19+s16+$0x0] =	vst.idx.msk vm3, v12;
	v60 =	vor.u32 v0, v28;
	s21 =	sshra.s32 s21, $0x4;
	s22 =	simm.s32 @!p0 $0x0  }
0x62: {  	v58 =	vor.u32 v0, v29;
	[tilespmem:v62+s16+$0x0] =	vst.idx.msk vm15, v8;
	s21 =	ssub.s32 s21, s22  }
0x63: {  	v59 =	vor.u32 v0, v30;
	[tilespmem:v63+s16+$0x0] =	vst.idx.msk vm1, v6;
	p0 =	slt.s32 s21, $0x1  }
.Ltmp2:
0x64: {  	[tilespmem:v61+s16+$0x0] =	vst.idx.msk vm9, v10;
	(pc) =	sbr.rel @p0 .LBB2_9-.Ltmp2, $4  }
0x65: {  	[tilespmem:v7+s16+$0x0] =	vst.idx.msk vm7, v11  }
0x66: {  	[tilespmem:v60+s16+$0x0] =	vst.idx.msk vm8, v14  }
0x67: {  	[tilespmem:v58+s16+$0x0] =	vst.idx.msk vm10, v15  }
0x68: {  	vm14 =	vmmov vm9;
	[tilespmem:v59+s16+$0x0] =	vst.idx.msk vm11, v16;
	s23 =	simm.s32 $0x0  }
0x69: {  	p1 =	sne.s32 s21, $0x1;
	vm0 =	vle.s32 v24, s23  }
.Ltmp3:
0x6a: {  	v6 =	vor.u32 s23, v0;
	(pc) =	sbr.rel @!p1 .LBB2_8-.Ltmp3, $2  }
0x6b: {  	_ =	sdelay $0x2  }
0x6c: {  	s22 =	sadd.s32 $0xFFFFFFFF, s21;
	s23 =	sadd.s32 $0x10, s23  }
.LBB2_7:
0x6d: {  	p1 =	sne.s32 s22, $0x1;
	s22 =	sadd.s32 $0xFFFFFFFF, s22;
	[tilespmem:v6+s16+$0x0] =	vst.idx.msk vm0, v2;
	vm0 =	vle.s32 v24, s23  }
.Ltmp4:
0x6e: {  	v6 =	vor.u32 s23, v0;
	(pc) =	sbr.rel @p1 .LBB2_7-.Ltmp4, $2  }
0x6f: {  	_ =	sdelay $0x2  }
0x70: {  	s23 =	sadd.s32 $0x10, s23  }
.LBB2_8:
0x71: {  	_ =	sdelay $0x4  }
0x72: {  	[tilespmem:v6+s16+$0x0] =	vst.idx.msk vm0, v2  }
.LBB2_9:
.Ltmp5:
0x73: {  	(pc) =	sbr.rel .LBB2_10-.Ltmp5, $2  }
0x74: {  	_ =	sdelay $0x2  }
0x75: {  	v5 =	vbroadcast v5, $0xF;
	s22 =	simm.s32 $0x0;
	v6 =	vmov v4;
	v7 =	vmov v4  }
.LBB2_11:
0x76: {  	v9 =	vimm.f32 $0.0e+00  }
.LBB2_15:
0x77: {  	(xrf2) =	vadd.scan.msk.f32 $0xffff, v8  }
0x78: {  	(xrf2) =	vadd.scan.msk.f32 $0xffff, v9;
	_ =	sdelay $0x8  }
0x79: {  	v8, _, _ =	vpop (xrf2)  }
0x7a: {  	(v2sf) =	vpush v8, $0xF;
	v8, _, _ =	vpop (xrf2)  }
0x7b: {  	(v2sf) =	vpush v8, $0xF;
	_ =	sdelay $0xd  }
0x7c: {  	s23 =	spop (v2sf)  }
0x7d: {  	s24 =	spop (v2sf)  }
0x7e: {  	s24 =	smax.f32 s24, $1.000000000e+00  }
0x7f: {  	v8 =	vmov s24  }
0x80: {  	(erf) = vrcp.f32 v8;
	_ =	sdelay $0x6  }
0x81: {  	s23 =	sadd.f32 $-1.000000000e+00, s23;
	_ =	sdelay $0x1  }
0x82: {  	v8 =	vmov s23;
	v63 =	vpop (erf)  }
0x83: {  	s22 =	sadd.s32 $0x1, s22;
	vm0 =	vge.f32 v8, $0.0e+00;
	v9 =	vmul.f32 s23, v63  }
0x84: {  	p1 =	sne.s32 s22, $0xC;
	v6 =	vsel vm0, v7, v6;
	v5 =	vsel vm0, v5, v7  }
.Ltmp6:
0x85: {  	v8 =	vadd.f32 v5, v6;
	v7 =	vadd.f32 v9, v7;
	(pc) =	sbr.rel @!p1 .LBB2_16-.Ltmp6, $4  }
0x86: {  	_ = 	snop  }
0x87: {  	v8 =	vmul.f32 $5.000000000e-01, v8;
	vm1 =	vgt.f32 v7, v6;
	vm2 =	vlt.f32 v7, v5  }
0x88: {  	vm1 =	vmand vm1, vm2  }
0x89: {  	v4 =	vsel vm0, v7, v4;
	v7 =	vsel vm1, v7, v8  }
.LBB2_10:
.Ltmp7:
0x8a: {  	(pc) =	sbr.rel @p0 .LBB2_11-.Ltmp7, $2  }
0x8b: {  	_ =	sdelay $0x2  }
0x8c: {  	v8 =	vimm.f32 $0.0e+00;
	s24 =	simm.s32 $0x10000  }
0x8d: {  	v9 =	vld [tilespmem:s24+$0x0];
	p1 =	sne.s32 s21, $0x1  }
.Ltmp8:
0x8e: {  	_ = 	snop;
	(pc) =	sbr.rel @!p1 .LBB2_14-.Ltmp8, $2  }
0x8f: {  	_ =	sdelay $0x2  }
0x90: {  	s23 =	sadd.s32 $0xFFFFFFFF, s21;
	s24 =	sadd.s32 $0x10, s24;
	v10 =	vsub.f32 v9, v7;
	v9 =	vimm.f32 $0.0e+00  }
.LBB2_13:
0x91: {  	v11 =	vld [tilespmem:s24+$0x0];
	p1 =	sne.s32 s23, $0x1;
	s23 =	sadd.s32 $0xFFFFFFFF, s23  }
.Ltmp9:
0x92: {  	vm0 =	vgt.f32 v10, $0.0e+00;
	v10 =	vmax.f32 v10, $0.0e+00;
	(pc) =	sbr.rel @p1 .LBB2_13-.Ltmp9, $3  }
0x93: {  	v8 =	vadd.f32 v10, v8;
	v10 =	vsel vm0, $0x3F800000, v3  }
0x94: {  	v9 =	vadd.f32 v10, v9;
	_ =	sdelay $0x1  }
0x95: {  	s24 =	sadd.s32 $0x10, s24;
	v10 =	vsub.f32 v11, v7  }
.LBB2_14:
.Ltmp10:
0x96: {  	(pc) =	sbr.rel .LBB2_15-.Ltmp10, $4  }
0x97: {  	_ = 	snop  }
0x98: {  	vm0 =	vgt.f32 v10, $0.0e+00;
	v10 =	vmax.f32 v10, $0.0e+00  }
0x99: {  	v11 =	vsel vm0, $0x3F800000, v3;
	v8 =	vadd.f32 v10, v8  }
0x9a: {  	v9 =	vadd.f32 v11, v9  }
.LBB2_16:
0x9b: {  	s21 =	simm.s32 $0x40  }
0x9c: {  	v6 =	vld [tilespmem:s21+$0x30]  }
0x9d: {  	v8 =	vld [tilespmem:s21+$0xFFFFFFD0]  }
0x9e: {  	v10 =	vld [tilespmem:s21+$0xFFFFFFE0]  }
0x9f: {  	v9 =	vld [tilespmem:s21+$0xFFFFFFF0]  }
0xa0: {  	v7 =	vld [tilespmem:s21+$0x0]  }
0xa1: {  	v5 =	vld [tilespmem:s21+$0x10];
	v12 =	vsub.f32 v6, v4  }
0xa2: {  	v6 =	vld [tilespmem:s21+$0x20];
	v11 =	vsub.f32 v8, v4  }
0xa3: {  	s22 =	simm.s32 $0x0;
	s23 =	simm.s32 $0xC0;
	v8 =	vld [tilespmem:s21+$0xFFFFFFC0];
	v10 =	vsub.f32 v10, v4;
	v12 =	vmax.f32 v12, $0.0e+00  }
.LBB2_17:
0xa4: {  	v13 =	vld [tilespmem:s23+$0x30];
	s22 =	sadd.s32 $0x80, s22;
	v11 =	vmax.f32 v11, $0.0e+00;
	v9 =	vsub.f32 v9, v4;
	[tilespmem:s21+$0x30] =	vst v12  }
0xa5: {  	v12 =	vld [tilespmem:s23+$0xFFFFFFD0];
	p0 =	slt.u32 s22, $0x7F80;
	[tilespmem:s21+$0xFFFFFFD0] =	vst v11;
	v10 =	vmax.f32 v10, $0.0e+00;
	v7 =	vsub.f32 v7, v4  }
0xa6: {  	v14 =	vld [tilespmem:s23+$0xFFFFFFE0];
	[tilespmem:s21+$0xFFFFFFE0] =	vst v10;
	v10 =	vmax.f32 v9, $0.0e+00;
	v5 =	vsub.f32 v5, v4  }
.Ltmp11:
0xa7: {  	v9 =	vld [tilespmem:s23+$0xFFFFFFF0];
	[tilespmem:s21+$0xFFFFFFF0] =	vst v10;
	v10 =	vmax.f32 v7, $0.0e+00;
	v6 =	vsub.f32 v6, v4;
	(pc) =	sbr.rel @p0 .LBB2_17-.Ltmp11, $4  }
0xa8: {  	v7 =	vld [tilespmem:s23+$0x0];
	v8 =	vsub.f32 v8, v4;
	[tilespmem:s21+$0x0] =	vst v10;
	v10 =	vmax.f32 v5, $0.0e+00  }
0xa9: {  	v5 =	vld [tilespmem:s23+$0x10];
	v13 =	vsub.f32 v13, v4;
	[tilespmem:s21+$0x10] =	vst v10;
	v10 =	vmax.f32 v6, $0.0e+00  }
0xaa: {  	v11 =	vsub.f32 v12, v4;
	v6 =	vld [tilespmem:s23+$0x20];
	v15 =	vmax.f32 v8, $0.0e+00;
	[tilespmem:s21+$0x20] =	vst v10  }
0xab: {  	v8 =	vld [tilespmem:s23+$0xFFFFFFC0];
	v10 =	vsub.f32 v14, v4;
	v12 =	vmax.f32 v13, $0.0e+00;
	[tilespmem:s21+$0xFFFFFFC0] =	vst v15;
	s21 =	smov.u32 s23;
	s23 =	sadd.s32 $0x80, s23  }
0xac: {  	v11 =	vmax.f32 v11, $0.0e+00;
	v9 =	vsub.f32 v9, v4;
	[tilespmem:s21+$0x30] =	vst v12  }
0xad: {  	[tilespmem:s21+$0xFFFFFFD0] =	vst v11;
	v10 =	vmax.f32 v10, $0.0e+00;
	v7 =	vsub.f32 v7, v4  }
0xae: {  	[tilespmem:s21+$0xFFFFFFE0] =	vst v10;
	v9 =	vmax.f32 v9, $0.0e+00;
	v5 =	vsub.f32 v5, v4  }
0xaf: {  	[tilespmem:s21+$0xFFFFFFF0] =	vst v9;
	v7 =	vmax.f32 v7, $0.0e+00;
	v6 =	vsub.f32 v6, v4  }
0xb0: {  	v4 =	vsub.f32 v8, v4;
	[tilespmem:s21+$0x0] =	vst v7;
	v5 =	vmax.f32 v5, $0.0e+00  }
0xb1: {  	[tilespmem:s21+$0x10] =	vst v5;
	v5 =	vmax.f32 v6, $0.0e+00  }
0xb2: {  	v4 =	vmax.f32 v4, $0.0e+00;
	[tilespmem:s21+$0x20] =	vst v5  }
0xb3: {  	[tilespmem:s21+$0xFFFFFFC0] =	vst v4  }
0xb4: {  	[hbm4b:s5+s12] =	stream.strided.scatter [tilespmem:s2], [sflag:$0x3], $0x8000, s13, s12, $0x38;
	[tilespmem:$0x18000] =	vst v63  }
0xb5: {  	_ =	swait.ge [sflag:s17], $0x8000  }
0xb6: {  	[sflag:s17] =	ssyncset.done $0x0  }
0xb7: {  	[sflag:s17] =	ssyncadd.s32 $0xFFFF8000  }
0xb8: {  	[tilespmem:s2], [sflag:$0x1] =	stream.strided.gather [hbm4b:s6+s12], $0x8000, s13, s12, $0x38;
	[tilespmem:$0x18000] =	vst v63  }
0xb9: {  	_ =	swait.ge [sflag:s18], $0x8000  }
0xba: {  	[sflag:s18] =	ssyncset.done $0x0  }
0xbb: {  	s22 =	simm.s32 $0x8040;
	[sflag:s18] =	ssyncadd.s32 $0xFFFF8000  }
0xbc: {  	v6 =	vld [tilespmem:s22+$0xFFFFFFC0]  }
0xbd: {  	v7 =	vld [tilespmem:s22+$0xFFFFFFD0]  }
0xbe: {  	v8 =	vld [tilespmem:s22+$0xFFFFFFE0]  }
0xbf: {  	v4 =	vld [tilespmem:s22+$0xFFFFFFF0]  }
0xc0: {  	v9 =	vimm.f32 $-3.000000010e+38;
	v5 =	vld [tilespmem:s22+$0x0]  }
0xc1: {  	v9 =	vmax.f32 v9, v6;
	v6 =	vld [tilespmem:s22+$0x10]  }
0xc2: {  	v9 =	vmax.f32 v9, v7;
	v7 =	vld [tilespmem:s22+$0x20]  }
0xc3: {  	s21 =	simm.s32 $0x0;
	v9 =	vmax.f32 v9, v8;
	v8 =	vld [tilespmem:s22+$0x30];
	s22 =	simm.s32 $0x80C0  }
.LBB2_19:
0xc4: {  	v10 =	vld [tilespmem:s22+$0xFFFFFFC0];
	s21 =	sadd.s32 $0x80, s21;
	v4 =	vmax.f32 v9, v4  }
0xc5: {  	v9 =	vld [tilespmem:s22+$0xFFFFFFD0];
	p0 =	slt.u32 s21, $0x7F80;
	v4 =	vmax.f32 v4, v5  }
0xc6: {  	v11 =	vld [tilespmem:s22+$0xFFFFFFE0];
	v5 =	vmax.f32 v4, v6  }
.Ltmp12:
0xc7: {  	v4 =	vld [tilespmem:s22+$0xFFFFFFF0];
	v6 =	vmax.f32 v5, v7;
	(pc) =	sbr.rel @p0 .LBB2_19-.Ltmp12, $4  }
0xc8: {  	v5 =	vld [tilespmem:s22+$0x0];
	v6 =	vmax.f32 v6, v8  }
0xc9: {  	v7 =	vmax.f32 v6, v10;
	v6 =	vld [tilespmem:s22+$0x10]  }
0xca: {  	v8 =	vmax.f32 v7, v9;
	v7 =	vld [tilespmem:s22+$0x20]  }
0xcb: {  	v9 =	vmax.f32 v8, v11;
	v8 =	vld [tilespmem:s22+$0x30];
	s22 =	sadd.s32 $0x80, s22  }
0xcc: {  	v4 =	vmax.f32 v9, v4  }
0xcd: {  	v4 =	vmax.f32 v4, v5  }
0xce: {  	v4 =	vmax.f32 v4, v6  }
0xcf: {  	v4 =	vmax.f32 v4, v7  }
0xd0: {  	v4 =	vmax.f32 v4, v8  }
0xd1: {  	(xrf0) =	vmax.scan.msk.f32 $0xffff, v4;
	_ =	sdelay $0x5  }
0xd2: {  	v5, _, _ =	vpop (xrf0)  }
0xd3: {  	(v2sf) =	vpush v5, $0xF;
	_ =	sdelay $0xc  }
0xd4: {  	s21 =	simm.s32 $0x8040  }
0xd5: {  	v8 =	vld [tilespmem:s21+$0xFFFFFFC0]  }
0xd6: {  	v7 =	vld [tilespmem:s21+$0xFFFFFFD0];
	s22 =	spop (v2sf)  }
0xd7: {  	v9 =	vld [tilespmem:s21+$0xFFFFFFE0];
	s22 =	sadd.f32 $-1.000000000e+00, s22  }
0xd8: {  	v13 =	vld [tilespmem:s21+$0xFFFFFFF0]  }
0xd9: {  	v17 =	vld [tilespmem:s21+$0x0];
	v4 =	vmov s22  }
0xda: {  	v25 =	vld [tilespmem:s21+$0x10];
	v6 =	vimm.s32 $0x0;
	vm3 =	vgt.f32 v8, v4  }
0xdb: {  	v10 =	vor.u32 v0, v6;
	vm1 =	vgt.f32 v7, v4;
	v11 =	vsel vm3, $0x10, v1  }
0xdc: {  	v15 =	vld [tilespmem:s21+$0x20];
	vm2 =	vgt.f32 v9, v4;
	v11 =	vadd.s32 v6, v11;
	v6 =	vsel vm1, $0x10, v1  }
0xdd: {  	vm4 =	vgt.f32 v13, v4;
	v14 =	vadd.s32 v11, v6;
	v6 =	vsel vm2, $0x10, v1  }
0xde: {  	vm0 =	vgt.f32 v17, v4;
	v18 =	vadd.s32 v14, v6;
	v6 =	vsel vm4, $0x10, v1  }
0xdf: {  	v16 =	vld [tilespmem:s21+$0x30];
	vm7 =	vgt.f32 v25, v4;
	v19 =	vadd.s32 v18, v6;
	v6 =	vsel vm0, $0x10, v1  }
0xe0: {  	v20 =	vadd.s32 v19, v6;
	v6 =	vsel vm7, $0x10, v1  }
0xe1: {  	vm6 =	vgt.f32 v15, v4;
	v6 =	vadd.s32 v20, v6  }
0xe2: {  	s21 =	simm.s32 $0x80C0;
	v24 =	vor.u32 v0, v6  }
0xe3: {  	v12 =	vld [tilespmem:s21+$0xFFFFFFC0];
	v21 =	vsel vm6, $0x10, v1  }
0xe4: {  	vm8 =	vgt.f32 v16, v4;
	v27 =	vor.u32 v0, v20;
	v21 =	vadd.s32 v6, v21;
	v6 =	vld [tilespmem:s21+$0xFFFFFFD0]  }
0xe5: {  	[tilespmem:v10+s16+$0x0] =	vst.idx.msk vm3, v8;
	v10 =	vsel vm8, $0x10, v1;
	v8 =	vld [tilespmem:s21+$0xFFFFFFE0];
	v26 =	vor.u32 v0, v21  }
0xe6: {  	vm5 =	vmmov vm4;
	v23 =	vor.u32 v0, v19;
	v28 =	vadd.s32 v21, v10;
	v10 =	vld [tilespmem:s21+$0xFFFFFFF0]  }
0xe7: {  	v22 =	vor.u32 v0, v18;
	v21 =	vor.u32 v0, v11;
	v11 =	vld [tilespmem:s21+$0x0];
	[tilespmem:v24+s16+$0x0] =	vst.idx.msk vm6, v15;
	vm6 =	vmmov vm2  }
0xe8: {  	vm4 =	vmmov vm1;
	vm3 =	vgt.f32 v12, v4;
	v20 =	vor.u32 v0, v14;
	v14 =	vld [tilespmem:s21+$0x10]  }
0xe9: {  	v18 =	vsel vm3, $0x10, v1;
	v19 =	vor.u32 v0, v28;
	[tilespmem:v27+s16+$0x0] =	vst.idx.msk vm7, v25;
	vm1 =	vgt.f32 v6, v4;
	v15 =	vld [tilespmem:s21+$0x20]  }
0xea: {  	s22 =	simm.s32 $0x80;
	v18 =	vadd.s32 v28, v18;
	vm2 =	vgt.f32 v8, v4;
	[tilespmem:v26+s16+$0x0] =	vst.idx.msk vm8, v16;
	v24 =	vsel vm1, $0x10, v1;
	v16 =	vld [tilespmem:s21+$0x30]  }
.LBB2_21:
0xeb: {  	s22 =	sadd.s32 $0x80, s22;
	v24 =	vadd.s32 v18, v24;
	v25 =	vsel vm2, $0x10, v1;
	vm8 =	vgt.f32 v10, v4;
	[tilespmem:v23+s16+$0x0] =	vst.idx.msk vm0, v17  }
0xec: {  	p0 =	slt.u32 s22, $0x7F80;
	v17 =	vadd.s32 v24, v25;
	v23 =	vsel vm8, $0x10, v1;
	vm0 =	vgt.f32 v11, v4;
	[tilespmem:v22+s16+$0x0] =	vst.idx.msk vm5, v13  }
0xed: {  	v23 =	vadd.s32 v17, v23;
	v13 =	vsel vm0, $0x10, v1;
	vm7 =	vgt.f32 v14, v4;
	[tilespmem:v20+s16+$0x0] =	vst.idx.msk vm6, v9  }
0xee: {  	v13 =	vadd.s32 v23, v13;
	v26 =	vsel vm7, $0x10, v1;
	vm9 =	vgt.f32 v15, v4;
	[tilespmem:v21+s16+$0x0] =	vst.idx.msk vm4, v7  }
0xef: {  	s21 =	sadd.s32 $0x80, s21;
	[tilespmem:v19+s16+$0x0] =	vst.idx.msk vm3, v12;
	v21 =	vadd.s32 v13, v26;
	v22 =	vsel vm9, $0x10, v1;
	vm10 =	vgt.f32 v16, v4  }
0xf0: {  	v9 =	vmovc v8;
	v7 =	vmovc v6;
	v12 =	vld [tilespmem:s21+$0xFFFFFFC0];
	v25 =	vor.u32 v0, v21;
	v19 =	vadd.s32 v21, v22;
	v20 =	vsel vm10, $0x10, v1  }
0xf1: {  	v26 =	vor.u32 v0, v13;
	v6 =	vld [tilespmem:s21+$0xFFFFFFD0];
	v27 =	vor.u32 v0, v19;
	v28 =	vadd.s32 v19, v20;
	v13 =	vmovc v10  }
0xf2: {  	v23 =	vor.u32 v0, v23;
	v22 =	vor.u32 v0, v17;
	v17 =	vmovc v11;
	v20 =	vor.u32 v0, v24;
	v8 =	vld [tilespmem:s21+$0xFFFFFFE0]  }
.Ltmp13:
0xf3: {  	vm5 =	vmmov vm8;
	v29 =	vmovc v14;
	v21 =	vor.u32 v0, v18;
	v19 =	vor.u32 v0, v28;
	v10 =	vld [tilespmem:s21+$0xFFFFFFF0];
	(pc) =	sbr.rel @p0 .LBB2_21-.Ltmp13, $4  }
0xf4: {  	vm6 =	vmmov vm2;
	vm4 =	vmmov vm1;
	v11 =	vld [tilespmem:s21+$0x0]  }
0xf5: {  	vm3 =	vgt.f32 v12, v4;
	v14 =	vld [tilespmem:s21+$0x10];
	[tilespmem:v25+s16+$0x0] =	vst.idx.msk vm9, v15  }
0xf6: {  	v18 =	vsel vm3, $0x10, v1;
	vm1 =	vgt.f32 v6, v4;
	v15 =	vld [tilespmem:s21+$0x20];
	[tilespmem:v27+s16+$0x0] =	vst.idx.msk vm10, v16  }
0xf7: {  	v18 =	vadd.s32 v28, v18;
	v24 =	vsel vm1, $0x10, v1;
	vm2 =	vgt.f32 v8, v4;
	v16 =	vld [tilespmem:s21+$0x30];
	[tilespmem:v26+s16+$0x0] =	vst.idx.msk vm7, v29  }
0xf8: {  	v25 =	vadd.s32 v18, v24;
	v24 =	vsel vm2, $0x10, v1;
	vm9 =	vgt.f32 v10, v4  }
0xf9: {  	v26 =	vadd.s32 v25, v24;
	v24 =	vsel vm9, $0x10, v1;
	vm7 =	vgt.f32 v11, v4  }
0xfa: {  	v27 =	vadd.s32 v26, v24;
	v24 =	vsel vm7, $0x10, v1;
	vm8 =	vgt.f32 v14, v4  }
0xfb: {  	v28 =	vadd.s32 v27, v24;
	v24 =	vsel vm8, $0x10, v1;
	vm10 =	vgt.f32 v15, v4  }
0xfc: {  	v29 =	vadd.s32 v28, v24;
	v24 =	vsel vm10, $0x10, v1;
	vm11 =	vgt.f32 v16, v4  }
0xfd: {  	v30 =	vadd.s32 v29, v24;
	v24 =	vsel vm11, $0x10, v1  }
0xfe: {  	v24 =	vadd.s32 v30, v24  }
0xff: {  	v31 =	vxor.u32 $0x80000000, v24  }
0x100: {  	(xrf0) =	vmax.scan.msk.u32 $0xffff, v31;
	_ =	sdelay $0x5  }
0x101: {  	v31, _, _ =	vpop (xrf0)  }
0x102: {  	(v2sf) =	vpush v31, $0xF;
	_ =	sdelay $0xe  }
0x103: {  	s21 =	spop (v2sf)  }
0x104: {  	vm15 =	vmmov vm2;
	s22 =	sxor.u32 $0x80000000, s21  }
0x105: {  	[tilespmem:v23+s16+$0x0] =	vst.idx.msk vm0, v17;
	vm1 =	vmmov vm1;
	v62 =	vor.u32 v0, v25;
	p1 =	sgt.s32 s21, $0xFFFFFFFF;
	s21 =	sand.u32 $0xF, s21;
	p0 =	slt.s32 s22, $0x1  }
0x106: {  	[tilespmem:v22+s16+$0x0] =	vst.idx.msk vm5, v13;
	v63 =	vor.u32 v0, v18;
	s23 =	sshra.s32 s22, $0x1F;
	p6 =	sne.s32 s21, $0x0;
	p0 =	por p1, p0  }
0x107: {  	[tilespmem:v20+s16+$0x0] =	vst.idx.msk vm6, v9;
	v61 =	vor.u32 v0, v26;
	s31 =	sshrl.u32 s23, $0x1C;
	p0 =	por !p6, !p0  }
0x108: {  	[tilespmem:v21+s16+$0x0] =	vst.idx.msk vm4, v7;
	v7 =	vor.u32 v0, v27;
	s21 =	sadd.s32 s31, s22;
	s22 =	simm.s32 $0x1;
	p0 =	por !p0, !p0  }
0x109: {  	[tilespmem:v19+s16+$0x0] =	vst.idx.msk vm3, v12;
	v60 =	vor.u32 v0, v28;
	s21 =	sshra.s32 s21, $0x4;
	s22 =	simm.s32 @!p0 $0x0  }
0x10a: {  	v58 =	vor.u32 v0, v29;
	[tilespmem:v62+s16+$0x0] =	vst.idx.msk vm15, v8;
	s21 =	ssub.s32 s21, s22  }
0x10b: {  	v59 =	vor.u32 v0, v30;
	[tilespmem:v63+s16+$0x0] =	vst.idx.msk vm1, v6;
	p0 =	slt.s32 s21, $0x1  }
.Ltmp14:
0x10c: {  	[tilespmem:v61+s16+$0x0] =	vst.idx.msk vm9, v10;
	(pc) =	sbr.rel @p0 .LBB2_26-.Ltmp14, $4  }
0x10d: {  	[tilespmem:v7+s16+$0x0] =	vst.idx.msk vm7, v11  }
0x10e: {  	[tilespmem:v60+s16+$0x0] =	vst.idx.msk vm8, v14  }
0x10f: {  	[tilespmem:v58+s16+$0x0] =	vst.idx.msk vm10, v15  }
0x110: {  	vm14 =	vmmov vm9;
	[tilespmem:v59+s16+$0x0] =	vst.idx.msk vm11, v16;
	s23 =	simm.s32 $0x0  }
0x111: {  	p1 =	sne.s32 s21, $0x1;
	vm0 =	vle.s32 v24, s23  }
.Ltmp15:
0x112: {  	v6 =	vor.u32 s23, v0;
	(pc) =	sbr.rel @!p1 .LBB2_25-.Ltmp15, $2  }
0x113: {  	_ =	sdelay $0x2  }
0x114: {  	s22 =	sadd.s32 $0xFFFFFFFF, s21;
	s23 =	sadd.s32 $0x10, s23  }
.LBB2_24:
0x115: {  	p1 =	sne.s32 s22, $0x1;
	s22 =	sadd.s32 $0xFFFFFFFF, s22;
	[tilespmem:v6+s16+$0x0] =	vst.idx.msk vm0, v2;
	vm0 =	vle.s32 v24, s23  }
.Ltmp16:
0x116: {  	v6 =	vor.u32 s23, v0;
	(pc) =	sbr.rel @p1 .LBB2_24-.Ltmp16, $2  }
0x117: {  	_ =	sdelay $0x2  }
0x118: {  	s23 =	sadd.s32 $0x10, s23  }
.LBB2_25:
0x119: {  	_ =	sdelay $0x4  }
0x11a: {  	[tilespmem:v6+s16+$0x0] =	vst.idx.msk vm0, v2  }
.LBB2_26:
.Ltmp17:
0x11b: {  	(pc) =	sbr.rel .LBB2_27-.Ltmp17, $2  }
0x11c: {  	_ =	sdelay $0x2  }
0x11d: {  	v5 =	vbroadcast v5, $0xF;
	s22 =	simm.s32 $0x0;
	v6 =	vmov v4;
	v7 =	vmov v4  }
.LBB2_28:
0x11e: {  	v9 =	vimm.f32 $0.0e+00  }
.LBB2_32:
0x11f: {  	(xrf2) =	vadd.scan.msk.f32 $0xffff, v8  }
0x120: {  	(xrf2) =	vadd.scan.msk.f32 $0xffff, v9;
	_ =	sdelay $0x8  }
0x121: {  	v8, _, _ =	vpop (xrf2)  }
0x122: {  	(v2sf) =	vpush v8, $0xF;
	v8, _, _ =	vpop (xrf2)  }
0x123: {  	(v2sf) =	vpush v8, $0xF;
	_ =	sdelay $0xd  }
0x124: {  	s23 =	spop (v2sf)  }
0x125: {  	s24 =	spop (v2sf)  }
0x126: {  	s24 =	smax.f32 s24, $1.000000000e+00  }
0x127: {  	v8 =	vmov s24  }
0x128: {  	(erf) = vrcp.f32 v8;
	_ =	sdelay $0x6  }
0x129: {  	s23 =	sadd.f32 $-1.000000000e+00, s23;
	_ =	sdelay $0x1  }
0x12a: {  	v8 =	vmov s23;
	v63 =	vpop (erf)  }
0x12b: {  	s22 =	sadd.s32 $0x1, s22;
	vm0 =	vge.f32 v8, $0.0e+00;
	v9 =	vmul.f32 s23, v63  }
0x12c: {  	p1 =	sne.s32 s22, $0xC;
	v6 =	vsel vm0, v7, v6;
	v5 =	vsel vm0, v5, v7  }
.Ltmp18:
0x12d: {  	v8 =	vadd.f32 v5, v6;
	v7 =	vadd.f32 v9, v7;
	(pc) =	sbr.rel @!p1 .LBB2_33-.Ltmp18, $4  }
0x12e: {  	_ = 	snop  }
0x12f: {  	v8 =	vmul.f32 $5.000000000e-01, v8;
	vm1 =	vgt.f32 v7, v6;
	vm2 =	vlt.f32 v7, v5  }
0x130: {  	vm1 =	vmand vm1, vm2  }
0x131: {  	v4 =	vsel vm0, v7, v4;
	v7 =	vsel vm1, v7, v8  }
.LBB2_27:
.Ltmp19:
0x132: {  	(pc) =	sbr.rel @p0 .LBB2_28-.Ltmp19, $2  }
0x133: {  	_ =	sdelay $0x2  }
0x134: {  	v8 =	vimm.f32 $0.0e+00;
	s24 =	simm.s32 $0x10000  }
0x135: {  	v9 =	vld [tilespmem:s24+$0x0];
	p1 =	sne.s32 s21, $0x1  }
.Ltmp20:
0x136: {  	_ = 	snop;
	(pc) =	sbr.rel @!p1 .LBB2_31-.Ltmp20, $2  }
0x137: {  	_ =	sdelay $0x2  }
0x138: {  	s23 =	sadd.s32 $0xFFFFFFFF, s21;
	s24 =	sadd.s32 $0x10, s24;
	v10 =	vsub.f32 v9, v7;
	v9 =	vimm.f32 $0.0e+00  }
.LBB2_30:
0x139: {  	v11 =	vld [tilespmem:s24+$0x0];
	p1 =	sne.s32 s23, $0x1;
	s23 =	sadd.s32 $0xFFFFFFFF, s23  }
.Ltmp21:
0x13a: {  	vm0 =	vgt.f32 v10, $0.0e+00;
	v10 =	vmax.f32 v10, $0.0e+00;
	(pc) =	sbr.rel @p1 .LBB2_30-.Ltmp21, $3  }
0x13b: {  	v8 =	vadd.f32 v10, v8;
	v10 =	vsel vm0, $0x3F800000, v3  }
0x13c: {  	v9 =	vadd.f32 v10, v9;
	_ =	sdelay $0x1  }
0x13d: {  	s24 =	sadd.s32 $0x10, s24;
	v10 =	vsub.f32 v11, v7  }
.LBB2_31:
.Ltmp22:
0x13e: {  	(pc) =	sbr.rel .LBB2_32-.Ltmp22, $4  }
0x13f: {  	_ = 	snop  }
0x140: {  	vm0 =	vgt.f32 v10, $0.0e+00;
	v10 =	vmax.f32 v10, $0.0e+00  }
0x141: {  	v11 =	vsel vm0, $0x3F800000, v3;
	v8 =	vadd.f32 v10, v8  }
0x142: {  	v9 =	vadd.f32 v11, v9  }
.LBB2_33:
0x143: {  	s21 =	simm.s32 $0x8040  }
0x144: {  	v6 =	vld [tilespmem:s21+$0x30]  }
0x145: {  	v8 =	vld [tilespmem:s21+$0xFFFFFFD0]  }
0x146: {  	v10 =	vld [tilespmem:s21+$0xFFFFFFE0]  }
0x147: {  	v9 =	vld [tilespmem:s21+$0xFFFFFFF0]  }
0x148: {  	v7 =	vld [tilespmem:s21+$0x0]  }
0x149: {  	v5 =	vld [tilespmem:s21+$0x10];
	v12 =	vsub.f32 v6, v4  }
0x14a: {  	v6 =	vld [tilespmem:s21+$0x20];
	v11 =	vsub.f32 v8, v4  }
0x14b: {  	s22 =	simm.s32 $0x0;
	s23 =	simm.s32 $0x80C0;
	v8 =	vld [tilespmem:s21+$0xFFFFFFC0];
	v10 =	vsub.f32 v10, v4;
	v12 =	vmax.f32 v12, $0.0e+00  }
.LBB2_34:
0x14c: {  	v13 =	vld [tilespmem:s23+$0x30];
	s22 =	sadd.s32 $0x80, s22;
	v11 =	vmax.f32 v11, $0.0e+00;
	v9 =	vsub.f32 v9, v4;
	[tilespmem:s21+$0x30] =	vst v12  }
0x14d: {  	v12 =	vld [tilespmem:s23+$0xFFFFFFD0];
	p0 =	slt.u32 s22, $0x7F80;
	[tilespmem:s21+$0xFFFFFFD0] =	vst v11;
	v10 =	vmax.f32 v10, $0.0e+00;
	v7 =	vsub.f32 v7, v4  }
0x14e: {  	v14 =	vld [tilespmem:s23+$0xFFFFFFE0];
	[tilespmem:s21+$0xFFFFFFE0] =	vst v10;
	v10 =	vmax.f32 v9, $0.0e+00;
	v5 =	vsub.f32 v5, v4  }
.Ltmp23:
0x14f: {  	v9 =	vld [tilespmem:s23+$0xFFFFFFF0];
	[tilespmem:s21+$0xFFFFFFF0] =	vst v10;
	v10 =	vmax.f32 v7, $0.0e+00;
	v6 =	vsub.f32 v6, v4;
	(pc) =	sbr.rel @p0 .LBB2_34-.Ltmp23, $4  }
0x150: {  	v7 =	vld [tilespmem:s23+$0x0];
	v8 =	vsub.f32 v8, v4;
	[tilespmem:s21+$0x0] =	vst v10;
	v10 =	vmax.f32 v5, $0.0e+00  }
0x151: {  	v5 =	vld [tilespmem:s23+$0x10];
	v13 =	vsub.f32 v13, v4;
	[tilespmem:s21+$0x10] =	vst v10;
	v10 =	vmax.f32 v6, $0.0e+00  }
0x152: {  	v11 =	vsub.f32 v12, v4;
	v6 =	vld [tilespmem:s23+$0x20];
	v15 =	vmax.f32 v8, $0.0e+00;
	[tilespmem:s21+$0x20] =	vst v10  }
0x153: {  	v8 =	vld [tilespmem:s23+$0xFFFFFFC0];
	v10 =	vsub.f32 v14, v4;
	v12 =	vmax.f32 v13, $0.0e+00;
	[tilespmem:s21+$0xFFFFFFC0] =	vst v15;
	s21 =	smov.u32 s23;
	s23 =	sadd.s32 $0x80, s23  }
0x154: {  	v11 =	vmax.f32 v11, $0.0e+00;
	v9 =	vsub.f32 v9, v4;
	[tilespmem:s21+$0x30] =	vst v12  }
0x155: {  	[tilespmem:s21+$0xFFFFFFD0] =	vst v11;
	v10 =	vmax.f32 v10, $0.0e+00;
	v7 =	vsub.f32 v7, v4  }
0x156: {  	[tilespmem:s21+$0xFFFFFFE0] =	vst v10;
	v9 =	vmax.f32 v9, $0.0e+00;
	v5 =	vsub.f32 v5, v4  }
0x157: {  	[tilespmem:s21+$0xFFFFFFF0] =	vst v9;
	v7 =	vmax.f32 v7, $0.0e+00;
	v6 =	vsub.f32 v6, v4  }
0x158: {  	v4 =	vsub.f32 v8, v4;
	[tilespmem:s21+$0x0] =	vst v7;
	v5 =	vmax.f32 v5, $0.0e+00  }
0x159: {  	[tilespmem:s21+$0x10] =	vst v5;
	v5 =	vmax.f32 v6, $0.0e+00  }
0x15a: {  	v4 =	vmax.f32 v4, $0.0e+00;
	[tilespmem:s21+$0x20] =	vst v5  }
0x15b: {  	[tilespmem:s21+$0xFFFFFFC0] =	vst v4  }
0x15c: {  	[hbm4b:s7+s12] =	stream.strided.scatter [tilespmem:s14], [sflag:$0x4], $0x8000, s13, s12, $0x38;
	[tilespmem:$0x18000] =	vst v63  }
0x15d: {  	_ =	swait.ge [sflag:s19], $0x8000  }
0x15e: {  	[sflag:s19] =	ssyncset.done $0x0  }
0x15f: {  	[sflag:s19] =	ssyncadd.s32 $0xFFFF8000  }
0x160: {  	[tilespmem:s14], [sflag:$0x2] =	stream.strided.gather [hbm4b:s8+s12], $0x8000, s13, s12, $0x38;
	[tilespmem:$0x18000] =	vst v63  }
0x161: {  	_ =	swait.ge [sflag:s15], $0x8000  }
0x162: {  	[sflag:s15] =	ssyncset.done $0x0  }
0x163: {  	s22 =	simm.s32 $0x40;
	[sflag:s15] =	ssyncadd.s32 $0xFFFF8000  }
0x164: {  	v6 =	vld [tilespmem:s22+$0xFFFFFFC0]  }
0x165: {  	v7 =	vld [tilespmem:s22+$0xFFFFFFD0]  }
0x166: {  	v8 =	vld [tilespmem:s22+$0xFFFFFFE0]  }
0x167: {  	v4 =	vld [tilespmem:s22+$0xFFFFFFF0]  }
0x168: {  	v9 =	vimm.f32 $-3.000000010e+38;
	v5 =	vld [tilespmem:s22+$0x0]  }
0x169: {  	v9 =	vmax.f32 v9, v6;
	v6 =	vld [tilespmem:s22+$0x10]  }
0x16a: {  	v9 =	vmax.f32 v9, v7;
	v7 =	vld [tilespmem:s22+$0x20]  }
0x16b: {  	s21 =	simm.s32 $0x0;
	v9 =	vmax.f32 v9, v8;
	v8 =	vld [tilespmem:s22+$0x30];
	s22 =	simm.s32 $0xC0  }
.LBB2_36:
0x16c: {  	v10 =	vld [tilespmem:s22+$0xFFFFFFC0];
	s21 =	sadd.s32 $0x80, s21;
	v4 =	vmax.f32 v9, v4  }
0x16d: {  	v9 =	vld [tilespmem:s22+$0xFFFFFFD0];
	p0 =	slt.u32 s21, $0x7F80;
	v4 =	vmax.f32 v4, v5  }
0x16e: {  	v11 =	vld [tilespmem:s22+$0xFFFFFFE0];
	v5 =	vmax.f32 v4, v6  }
.Ltmp24:
0x16f: {  	v4 =	vld [tilespmem:s22+$0xFFFFFFF0];
	v6 =	vmax.f32 v5, v7;
	(pc) =	sbr.rel @p0 .LBB2_36-.Ltmp24, $4  }
0x170: {  	v5 =	vld [tilespmem:s22+$0x0];
	v6 =	vmax.f32 v6, v8  }
0x171: {  	v7 =	vmax.f32 v6, v10;
	v6 =	vld [tilespmem:s22+$0x10]  }
0x172: {  	v8 =	vmax.f32 v7, v9;
	v7 =	vld [tilespmem:s22+$0x20]  }
0x173: {  	v9 =	vmax.f32 v8, v11;
	v8 =	vld [tilespmem:s22+$0x30];
	s22 =	sadd.s32 $0x80, s22  }
0x174: {  	v4 =	vmax.f32 v9, v4  }
0x175: {  	v4 =	vmax.f32 v4, v5  }
0x176: {  	v4 =	vmax.f32 v4, v6  }
0x177: {  	v4 =	vmax.f32 v4, v7  }
0x178: {  	v4 =	vmax.f32 v4, v8  }
0x179: {  	(xrf0) =	vmax.scan.msk.f32 $0xffff, v4;
	_ =	sdelay $0x5  }
0x17a: {  	v5, _, _ =	vpop (xrf0)  }
0x17b: {  	(v2sf) =	vpush v5, $0xF;
	_ =	sdelay $0xc  }
0x17c: {  	s21 =	simm.s32 $0x40  }
0x17d: {  	v8 =	vld [tilespmem:s21+$0xFFFFFFC0]  }
0x17e: {  	v7 =	vld [tilespmem:s21+$0xFFFFFFD0];
	s22 =	spop (v2sf)  }
0x17f: {  	v9 =	vld [tilespmem:s21+$0xFFFFFFE0];
	s22 =	sadd.f32 $-1.000000000e+00, s22  }
0x180: {  	v13 =	vld [tilespmem:s21+$0xFFFFFFF0]  }
0x181: {  	v17 =	vld [tilespmem:s21+$0x0];
	v4 =	vmov s22  }
0x182: {  	v25 =	vld [tilespmem:s21+$0x10];
	v6 =	vimm.s32 $0x0;
	vm3 =	vgt.f32 v8, v4  }
0x183: {  	v10 =	vor.u32 v0, v6;
	vm1 =	vgt.f32 v7, v4;
	v11 =	vsel vm3, $0x10, v1  }
0x184: {  	v15 =	vld [tilespmem:s21+$0x20];
	vm2 =	vgt.f32 v9, v4;
	v11 =	vadd.s32 v6, v11;
	v6 =	vsel vm1, $0x10, v1  }
0x185: {  	vm4 =	vgt.f32 v13, v4;
	v14 =	vadd.s32 v11, v6;
	v6 =	vsel vm2, $0x10, v1  }
0x186: {  	vm0 =	vgt.f32 v17, v4;
	v18 =	vadd.s32 v14, v6;
	v6 =	vsel vm4, $0x10, v1  }
0x187: {  	v16 =	vld [tilespmem:s21+$0x30];
	vm7 =	vgt.f32 v25, v4;
	v19 =	vadd.s32 v18, v6;
	v6 =	vsel vm0, $0x10, v1  }
0x188: {  	v20 =	vadd.s32 v19, v6;
	v6 =	vsel vm7, $0x10, v1  }
0x189: {  	vm6 =	vgt.f32 v15, v4;
	v6 =	vadd.s32 v20, v6  }
0x18a: {  	s21 =	simm.s32 $0xC0;
	v24 =	vor.u32 v0, v6  }
0x18b: {  	v12 =	vld [tilespmem:s21+$0xFFFFFFC0];
	v21 =	vsel vm6, $0x10, v1  }
0x18c: {  	vm8 =	vgt.f32 v16, v4;
	v27 =	vor.u32 v0, v20;
	v21 =	vadd.s32 v6, v21;
	v6 =	vld [tilespmem:s21+$0xFFFFFFD0]  }
0x18d: {  	[tilespmem:v10+s16+$0x0] =	vst.idx.msk vm3, v8;
	v10 =	vsel vm8, $0x10, v1;
	v8 =	vld [tilespmem:s21+$0xFFFFFFE0];
	v26 =	vor.u32 v0, v21  }
0x18e: {  	vm5 =	vmmov vm4;
	v23 =	vor.u32 v0, v19;
	v28 =	vadd.s32 v21, v10;
	v10 =	vld [tilespmem:s21+$0xFFFFFFF0]  }
0x18f: {  	v22 =	vor.u32 v0, v18;
	v21 =	vor.u32 v0, v11;
	v11 =	vld [tilespmem:s21+$0x0];
	[tilespmem:v24+s16+$0x0] =	vst.idx.msk vm6, v15;
	vm6 =	vmmov vm2  }
0x190: {  	vm4 =	vmmov vm1;
	vm3 =	vgt.f32 v12, v4;
	v20 =	vor.u32 v0, v14;
	v14 =	vld [tilespmem:s21+$0x10]  }
0x191: {  	v18 =	vsel vm3, $0x10, v1;
	v19 =	vor.u32 v0, v28;
	[tilespmem:v27+s16+$0x0] =	vst.idx.msk vm7, v25;
	vm1 =	vgt.f32 v6, v4;
	v15 =	vld [tilespmem:s21+$0x20]  }
0x192: {  	s22 =	simm.s32 $0x80;
	v18 =	vadd.s32 v28, v18;
	vm2 =	vgt.f32 v8, v4;
	[tilespmem:v26+s16+$0x0] =	vst.idx.msk vm8, v16;
	v24 =	vsel vm1, $0x10, v1;
	v16 =	vld [tilespmem:s21+$0x30]  }
.LBB2_38:
0x193: {  	s22 =	sadd.s32 $0x80, s22;
	v24 =	vadd.s32 v18, v24;
	v25 =	vsel vm2, $0x10, v1;
	vm8 =	vgt.f32 v10, v4;
	[tilespmem:v23+s16+$0x0] =	vst.idx.msk vm0, v17  }
0x194: {  	p0 =	slt.u32 s22, $0x7F80;
	v17 =	vadd.s32 v24, v25;
	v23 =	vsel vm8, $0x10, v1;
	vm0 =	vgt.f32 v11, v4;
	[tilespmem:v22+s16+$0x0] =	vst.idx.msk vm5, v13  }
0x195: {  	v23 =	vadd.s32 v17, v23;
	v13 =	vsel vm0, $0x10, v1;
	vm7 =	vgt.f32 v14, v4;
	[tilespmem:v20+s16+$0x0] =	vst.idx.msk vm6, v9  }
0x196: {  	v13 =	vadd.s32 v23, v13;
	v26 =	vsel vm7, $0x10, v1;
	vm9 =	vgt.f32 v15, v4;
	[tilespmem:v21+s16+$0x0] =	vst.idx.msk vm4, v7  }
0x197: {  	s21 =	sadd.s32 $0x80, s21;
	[tilespmem:v19+s16+$0x0] =	vst.idx.msk vm3, v12;
	v21 =	vadd.s32 v13, v26;
	v22 =	vsel vm9, $0x10, v1;
	vm10 =	vgt.f32 v16, v4  }
0x198: {  	v9 =	vmovc v8;
	v7 =	vmovc v6;
	v12 =	vld [tilespmem:s21+$0xFFFFFFC0];
	v25 =	vor.u32 v0, v21;
	v19 =	vadd.s32 v21, v22;
	v20 =	vsel vm10, $0x10, v1  }
0x199: {  	v26 =	vor.u32 v0, v13;
	v6 =	vld [tilespmem:s21+$0xFFFFFFD0];
	v27 =	vor.u32 v0, v19;
	v28 =	vadd.s32 v19, v20;
	v13 =	vmovc v10  }
0x19a: {  	v23 =	vor.u32 v0, v23;
	v22 =	vor.u32 v0, v17;
	v17 =	vmovc v11;
	v20 =	vor.u32 v0, v24;
	v8 =	vld [tilespmem:s21+$0xFFFFFFE0]  }
.Ltmp25:
0x19b: {  	vm5 =	vmmov vm8;
	v29 =	vmovc v14;
	v21 =	vor.u32 v0, v18;
	v19 =	vor.u32 v0, v28;
	v10 =	vld [tilespmem:s21+$0xFFFFFFF0];
	(pc) =	sbr.rel @p0 .LBB2_38-.Ltmp25, $4  }
0x19c: {  	vm6 =	vmmov vm2;
	vm4 =	vmmov vm1;
	v11 =	vld [tilespmem:s21+$0x0]  }
0x19d: {  	vm3 =	vgt.f32 v12, v4;
	v14 =	vld [tilespmem:s21+$0x10];
	[tilespmem:v25+s16+$0x0] =	vst.idx.msk vm9, v15  }
0x19e: {  	v18 =	vsel vm3, $0x10, v1;
	vm1 =	vgt.f32 v6, v4;
	v15 =	vld [tilespmem:s21+$0x20];
	[tilespmem:v27+s16+$0x0] =	vst.idx.msk vm10, v16  }
0x19f: {  	v18 =	vadd.s32 v28, v18;
	v24 =	vsel vm1, $0x10, v1;
	vm2 =	vgt.f32 v8, v4;
	v16 =	vld [tilespmem:s21+$0x30];
	[tilespmem:v26+s16+$0x0] =	vst.idx.msk vm7, v29  }
0x1a0: {  	v25 =	vadd.s32 v18, v24;
	v24 =	vsel vm2, $0x10, v1;
	vm9 =	vgt.f32 v10, v4  }
0x1a1: {  	v26 =	vadd.s32 v25, v24;
	v24 =	vsel vm9, $0x10, v1;
	vm7 =	vgt.f32 v11, v4  }
0x1a2: {  	v27 =	vadd.s32 v26, v24;
	v24 =	vsel vm7, $0x10, v1;
	vm8 =	vgt.f32 v14, v4  }
0x1a3: {  	v28 =	vadd.s32 v27, v24;
	v24 =	vsel vm8, $0x10, v1;
	vm10 =	vgt.f32 v15, v4  }
0x1a4: {  	v29 =	vadd.s32 v28, v24;
	v24 =	vsel vm10, $0x10, v1;
	vm11 =	vgt.f32 v16, v4  }
0x1a5: {  	v30 =	vadd.s32 v29, v24;
	v24 =	vsel vm11, $0x10, v1  }
0x1a6: {  	v24 =	vadd.s32 v30, v24  }
0x1a7: {  	v31 =	vxor.u32 $0x80000000, v24  }
0x1a8: {  	(xrf0) =	vmax.scan.msk.u32 $0xffff, v31;
	_ =	sdelay $0x5  }
0x1a9: {  	v31, _, _ =	vpop (xrf0)  }
0x1aa: {  	(v2sf) =	vpush v31, $0xF;
	_ =	sdelay $0xe  }
0x1ab: {  	s21 =	spop (v2sf)  }
0x1ac: {  	vm15 =	vmmov vm2;
	s22 =	sxor.u32 $0x80000000, s21  }
0x1ad: {  	[tilespmem:v23+s16+$0x0] =	vst.idx.msk vm0, v17;
	vm1 =	vmmov vm1;
	v62 =	vor.u32 v0, v25;
	p1 =	sgt.s32 s21, $0xFFFFFFFF;
	s21 =	sand.u32 $0xF, s21;
	p0 =	slt.s32 s22, $0x1  }
0x1ae: {  	[tilespmem:v22+s16+$0x0] =	vst.idx.msk vm5, v13;
	v63 =	vor.u32 v0, v18;
	s23 =	sshra.s32 s22, $0x1F;
	p6 =	sne.s32 s21, $0x0;
	p0 =	por p1, p0  }
0x1af: {  	[tilespmem:v20+s16+$0x0] =	vst.idx.msk vm6, v9;
	v61 =	vor.u32 v0, v26;
	s31 =	sshrl.u32 s23, $0x1C;
	p0 =	por !p6, !p0  }
0x1b0: {  	[tilespmem:v21+s16+$0x0] =	vst.idx.msk vm4, v7;
	v7 =	vor.u32 v0, v27;
	s21 =	sadd.s32 s31, s22;
	s22 =	simm.s32 $0x1;
	p0 =	por !p0, !p0  }
0x1b1: {  	[tilespmem:v19+s16+$0x0] =	vst.idx.msk vm3, v12;
	v60 =	vor.u32 v0, v28;
	s21 =	sshra.s32 s21, $0x4;
	s22 =	simm.s32 @!p0 $0x0  }
0x1b2: {  	v58 =	vor.u32 v0, v29;
	[tilespmem:v62+s16+$0x0] =	vst.idx.msk vm15, v8;
	s21 =	ssub.s32 s21, s22  }
0x1b3: {  	v59 =	vor.u32 v0, v30;
	[tilespmem:v63+s16+$0x0] =	vst.idx.msk vm1, v6;
	p0 =	slt.s32 s21, $0x1  }
.Ltmp26:
0x1b4: {  	[tilespmem:v61+s16+$0x0] =	vst.idx.msk vm9, v10;
	(pc) =	sbr.rel @p0 .LBB2_43-.Ltmp26, $4  }
0x1b5: {  	[tilespmem:v7+s16+$0x0] =	vst.idx.msk vm7, v11  }
0x1b6: {  	[tilespmem:v60+s16+$0x0] =	vst.idx.msk vm8, v14  }
0x1b7: {  	[tilespmem:v58+s16+$0x0] =	vst.idx.msk vm10, v15  }
0x1b8: {  	vm14 =	vmmov vm9;
	[tilespmem:v59+s16+$0x0] =	vst.idx.msk vm11, v16;
	s23 =	simm.s32 $0x0  }
0x1b9: {  	p1 =	sne.s32 s21, $0x1;
	vm0 =	vle.s32 v24, s23  }
.Ltmp27:
0x1ba: {  	v6 =	vor.u32 s23, v0;
	(pc) =	sbr.rel @!p1 .LBB2_42-.Ltmp27, $2  }
0x1bb: {  	_ =	sdelay $0x2  }
0x1bc: {  	s22 =	sadd.s32 $0xFFFFFFFF, s21;
	s23 =	sadd.s32 $0x10, s23  }
.LBB2_41:
0x1bd: {  	p1 =	sne.s32 s22, $0x1;
	s22 =	sadd.s32 $0xFFFFFFFF, s22;
	[tilespmem:v6+s16+$0x0] =	vst.idx.msk vm0, v2;
	vm0 =	vle.s32 v24, s23  }
.Ltmp28:
0x1be: {  	v6 =	vor.u32 s23, v0;
	(pc) =	sbr.rel @p1 .LBB2_41-.Ltmp28, $2  }
0x1bf: {  	_ =	sdelay $0x2  }
0x1c0: {  	s23 =	sadd.s32 $0x10, s23  }
.LBB2_42:
0x1c1: {  	_ =	sdelay $0x4  }
0x1c2: {  	[tilespmem:v6+s16+$0x0] =	vst.idx.msk vm0, v2  }
.LBB2_43:
.Ltmp29:
0x1c3: {  	(pc) =	sbr.rel .LBB2_44-.Ltmp29, $2  }
0x1c4: {  	_ =	sdelay $0x2  }
0x1c5: {  	v5 =	vbroadcast v5, $0xF;
	s22 =	simm.s32 $0x0;
	v6 =	vmov v4;
	v7 =	vmov v4  }
.LBB2_45:
0x1c6: {  	v9 =	vimm.f32 $0.0e+00  }
.LBB2_49:
0x1c7: {  	(xrf2) =	vadd.scan.msk.f32 $0xffff, v8  }
0x1c8: {  	(xrf2) =	vadd.scan.msk.f32 $0xffff, v9;
	_ =	sdelay $0x8  }
0x1c9: {  	v8, _, _ =	vpop (xrf2)  }
0x1ca: {  	(v2sf) =	vpush v8, $0xF;
	v8, _, _ =	vpop (xrf2)  }
0x1cb: {  	(v2sf) =	vpush v8, $0xF;
	_ =	sdelay $0xd  }
0x1cc: {  	s23 =	spop (v2sf)  }
0x1cd: {  	s24 =	spop (v2sf)  }
0x1ce: {  	s24 =	smax.f32 s24, $1.000000000e+00  }
0x1cf: {  	v8 =	vmov s24  }
0x1d0: {  	(erf) = vrcp.f32 v8;
	_ =	sdelay $0x6  }
0x1d1: {  	s23 =	sadd.f32 $-1.000000000e+00, s23;
	_ =	sdelay $0x1  }
0x1d2: {  	v8 =	vmov s23;
	v63 =	vpop (erf)  }
0x1d3: {  	s22 =	sadd.s32 $0x1, s22;
	vm0 =	vge.f32 v8, $0.0e+00;
	v9 =	vmul.f32 s23, v63  }
0x1d4: {  	p1 =	sne.s32 s22, $0xC;
	v6 =	vsel vm0, v7, v6;
	v5 =	vsel vm0, v5, v7  }
.Ltmp30:
0x1d5: {  	v8 =	vadd.f32 v5, v6;
	v7 =	vadd.f32 v9, v7;
	(pc) =	sbr.rel @!p1 .LBB2_50-.Ltmp30, $4  }
0x1d6: {  	_ = 	snop  }
0x1d7: {  	v8 =	vmul.f32 $5.000000000e-01, v8;
	vm1 =	vgt.f32 v7, v6;
	vm2 =	vlt.f32 v7, v5  }
0x1d8: {  	vm1 =	vmand vm1, vm2  }
0x1d9: {  	v4 =	vsel vm0, v7, v4;
	v7 =	vsel vm1, v7, v8  }
.LBB2_44:
.Ltmp31:
0x1da: {  	(pc) =	sbr.rel @p0 .LBB2_45-.Ltmp31, $2  }
0x1db: {  	_ =	sdelay $0x2  }
0x1dc: {  	v8 =	vimm.f32 $0.0e+00;
	s24 =	simm.s32 $0x10000  }
0x1dd: {  	v9 =	vld [tilespmem:s24+$0x0];
	p1 =	sne.s32 s21, $0x1  }
.Ltmp32:
0x1de: {  	_ = 	snop;
	(pc) =	sbr.rel @!p1 .LBB2_48-.Ltmp32, $2  }
0x1df: {  	_ =	sdelay $0x2  }
0x1e0: {  	s23 =	sadd.s32 $0xFFFFFFFF, s21;
	s24 =	sadd.s32 $0x10, s24;
	v10 =	vsub.f32 v9, v7;
	v9 =	vimm.f32 $0.0e+00  }
.LBB2_47:
0x1e1: {  	v11 =	vld [tilespmem:s24+$0x0];
	p1 =	sne.s32 s23, $0x1;
	s23 =	sadd.s32 $0xFFFFFFFF, s23  }
.Ltmp33:
0x1e2: {  	vm0 =	vgt.f32 v10, $0.0e+00;
	v10 =	vmax.f32 v10, $0.0e+00;
	(pc) =	sbr.rel @p1 .LBB2_47-.Ltmp33, $3  }
0x1e3: {  	v8 =	vadd.f32 v10, v8;
	v10 =	vsel vm0, $0x3F800000, v3  }
0x1e4: {  	v9 =	vadd.f32 v10, v9;
	_ =	sdelay $0x1  }
0x1e5: {  	s24 =	sadd.s32 $0x10, s24;
	v10 =	vsub.f32 v11, v7  }
.LBB2_48:
.Ltmp34:
0x1e6: {  	(pc) =	sbr.rel .LBB2_49-.Ltmp34, $4  }
0x1e7: {  	_ = 	snop  }
0x1e8: {  	vm0 =	vgt.f32 v10, $0.0e+00;
	v10 =	vmax.f32 v10, $0.0e+00  }
0x1e9: {  	v11 =	vsel vm0, $0x3F800000, v3;
	v8 =	vadd.f32 v10, v8  }
0x1ea: {  	v9 =	vadd.f32 v11, v9  }
.LBB2_50:
0x1eb: {  	s21 =	simm.s32 $0x40  }
0x1ec: {  	v6 =	vld [tilespmem:s21+$0x30]  }
0x1ed: {  	v8 =	vld [tilespmem:s21+$0xFFFFFFD0]  }
0x1ee: {  	v10 =	vld [tilespmem:s21+$0xFFFFFFE0]  }
0x1ef: {  	v9 =	vld [tilespmem:s21+$0xFFFFFFF0]  }
0x1f0: {  	v7 =	vld [tilespmem:s21+$0x0]  }
0x1f1: {  	v5 =	vld [tilespmem:s21+$0x10];
	v12 =	vsub.f32 v6, v4  }
0x1f2: {  	v6 =	vld [tilespmem:s21+$0x20];
	v11 =	vsub.f32 v8, v4  }
0x1f3: {  	s22 =	simm.s32 $0x0;
	s23 =	simm.s32 $0xC0;
	v8 =	vld [tilespmem:s21+$0xFFFFFFC0];
	v10 =	vsub.f32 v10, v4;
	v12 =	vmax.f32 v12, $0.0e+00  }
.LBB2_51:
0x1f4: {  	v13 =	vld [tilespmem:s23+$0x30];
	s22 =	sadd.s32 $0x80, s22;
	v11 =	vmax.f32 v11, $0.0e+00;
	v9 =	vsub.f32 v9, v4;
	[tilespmem:s21+$0x30] =	vst v12  }
0x1f5: {  	v12 =	vld [tilespmem:s23+$0xFFFFFFD0];
	p0 =	slt.u32 s22, $0x7F80;
	[tilespmem:s21+$0xFFFFFFD0] =	vst v11;
	v10 =	vmax.f32 v10, $0.0e+00;
	v7 =	vsub.f32 v7, v4  }
0x1f6: {  	v14 =	vld [tilespmem:s23+$0xFFFFFFE0];
	[tilespmem:s21+$0xFFFFFFE0] =	vst v10;
	v10 =	vmax.f32 v9, $0.0e+00;
	v5 =	vsub.f32 v5, v4  }
.Ltmp35:
0x1f7: {  	v9 =	vld [tilespmem:s23+$0xFFFFFFF0];
	[tilespmem:s21+$0xFFFFFFF0] =	vst v10;
	v10 =	vmax.f32 v7, $0.0e+00;
	v6 =	vsub.f32 v6, v4;
	(pc) =	sbr.rel @p0 .LBB2_51-.Ltmp35, $4  }
0x1f8: {  	v7 =	vld [tilespmem:s23+$0x0];
	v8 =	vsub.f32 v8, v4;
	[tilespmem:s21+$0x0] =	vst v10;
	v10 =	vmax.f32 v5, $0.0e+00  }
0x1f9: {  	v5 =	vld [tilespmem:s23+$0x10];
	v13 =	vsub.f32 v13, v4;
	[tilespmem:s21+$0x10] =	vst v10;
	v10 =	vmax.f32 v6, $0.0e+00  }
0x1fa: {  	v11 =	vsub.f32 v12, v4;
	v6 =	vld [tilespmem:s23+$0x20];
	v15 =	vmax.f32 v8, $0.0e+00;
	[tilespmem:s21+$0x20] =	vst v10  }
0x1fb: {  	v8 =	vld [tilespmem:s23+$0xFFFFFFC0];
	v10 =	vsub.f32 v14, v4;
	v12 =	vmax.f32 v13, $0.0e+00;
	[tilespmem:s21+$0xFFFFFFC0] =	vst v15;
	s21 =	smov.u32 s23;
	s23 =	sadd.s32 $0x80, s23  }
0x1fc: {  	v11 =	vmax.f32 v11, $0.0e+00;
	v9 =	vsub.f32 v9, v4;
	[tilespmem:s21+$0x30] =	vst v12  }
0x1fd: {  	[tilespmem:s21+$0xFFFFFFD0] =	vst v11;
	v10 =	vmax.f32 v10, $0.0e+00;
	v7 =	vsub.f32 v7, v4  }
0x1fe: {  	[tilespmem:s21+$0xFFFFFFE0] =	vst v10;
	v9 =	vmax.f32 v9, $0.0e+00;
	v5 =	vsub.f32 v5, v4  }
0x1ff: {  	[tilespmem:s21+$0xFFFFFFF0] =	vst v9;
	v7 =	vmax.f32 v7, $0.0e+00;
	v6 =	vsub.f32 v6, v4  }
0x200: {  	v4 =	vsub.f32 v8, v4;
	[tilespmem:s21+$0x0] =	vst v7;
	v5 =	vmax.f32 v5, $0.0e+00  }
0x201: {  	[tilespmem:s21+$0x10] =	vst v5;
	v5 =	vmax.f32 v6, $0.0e+00  }
0x202: {  	v4 =	vmax.f32 v4, $0.0e+00;
	[tilespmem:s21+$0x20] =	vst v5  }
0x203: {  	[tilespmem:s21+$0xFFFFFFC0] =	vst v4  }
0x204: {  	[hbm4b:s9+s12] =	stream.strided.scatter [tilespmem:s2], [sflag:$0x3], $0x8000, s13, s12, $0x38;
	[tilespmem:$0x18000] =	vst v63  }
0x205: {  	_ =	swait.ge [sflag:s18], $0x8000  }
0x206: {  	[sflag:s18] =	ssyncset.done $0x0  }
0x207: {  	s22 =	simm.s32 $0x8040;
	[sflag:s18] =	ssyncadd.s32 $0xFFFF8000  }
0x208: {  	v6 =	vld [tilespmem:s22+$0xFFFFFFC0]  }
0x209: {  	v7 =	vld [tilespmem:s22+$0xFFFFFFD0]  }
0x20a: {  	v8 =	vld [tilespmem:s22+$0xFFFFFFE0]  }
0x20b: {  	v4 =	vld [tilespmem:s22+$0xFFFFFFF0]  }
0x20c: {  	v9 =	vimm.f32 $-3.000000010e+38;
	v5 =	vld [tilespmem:s22+$0x0]  }
0x20d: {  	v9 =	vmax.f32 v9, v6;
	v6 =	vld [tilespmem:s22+$0x10]  }
0x20e: {  	v9 =	vmax.f32 v9, v7;
	v7 =	vld [tilespmem:s22+$0x20]  }
0x20f: {  	s21 =	simm.s32 $0x0;
	v9 =	vmax.f32 v9, v8;
	v8 =	vld [tilespmem:s22+$0x30];
	s22 =	simm.s32 $0x80C0  }
.LBB2_53:
0x210: {  	v10 =	vld [tilespmem:s22+$0xFFFFFFC0];
	s21 =	sadd.s32 $0x80, s21;
	v4 =	vmax.f32 v9, v4  }
0x211: {  	v9 =	vld [tilespmem:s22+$0xFFFFFFD0];
	p0 =	slt.u32 s21, $0x7F80;
	v4 =	vmax.f32 v4, v5  }
0x212: {  	v11 =	vld [tilespmem:s22+$0xFFFFFFE0];
	v5 =	vmax.f32 v4, v6  }
.Ltmp36:
0x213: {  	v4 =	vld [tilespmem:s22+$0xFFFFFFF0];
	v6 =	vmax.f32 v5, v7;
	(pc) =	sbr.rel @p0 .LBB2_53-.Ltmp36, $4  }
0x214: {  	v5 =	vld [tilespmem:s22+$0x0];
	v6 =	vmax.f32 v6, v8  }
0x215: {  	v7 =	vmax.f32 v6, v10;
	v6 =	vld [tilespmem:s22+$0x10]  }
0x216: {  	v8 =	vmax.f32 v7, v9;
	v7 =	vld [tilespmem:s22+$0x20]  }
0x217: {  	v9 =	vmax.f32 v8, v11;
	v8 =	vld [tilespmem:s22+$0x30];
	s22 =	sadd.s32 $0x80, s22  }
0x218: {  	v4 =	vmax.f32 v9, v4  }
0x219: {  	v4 =	vmax.f32 v4, v5  }
0x21a: {  	v4 =	vmax.f32 v4, v6  }
0x21b: {  	v4 =	vmax.f32 v4, v7  }
0x21c: {  	v4 =	vmax.f32 v4, v8  }
0x21d: {  	(xrf0) =	vmax.scan.msk.f32 $0xffff, v4;
	_ =	sdelay $0x5  }
0x21e: {  	v5, _, _ =	vpop (xrf0)  }
0x21f: {  	(v2sf) =	vpush v5, $0xF;
	_ =	sdelay $0xc  }
0x220: {  	s21 =	simm.s32 $0x8040  }
0x221: {  	v8 =	vld [tilespmem:s21+$0xFFFFFFC0]  }
0x222: {  	v7 =	vld [tilespmem:s21+$0xFFFFFFD0];
	s22 =	spop (v2sf)  }
0x223: {  	v9 =	vld [tilespmem:s21+$0xFFFFFFE0];
	s22 =	sadd.f32 $-1.000000000e+00, s22  }
0x224: {  	v13 =	vld [tilespmem:s21+$0xFFFFFFF0]  }
0x225: {  	v17 =	vld [tilespmem:s21+$0x0];
	v4 =	vmov s22  }
0x226: {  	v25 =	vld [tilespmem:s21+$0x10];
	v6 =	vimm.s32 $0x0;
	vm3 =	vgt.f32 v8, v4  }
0x227: {  	v10 =	vor.u32 v0, v6;
	vm1 =	vgt.f32 v7, v4;
	v11 =	vsel vm3, $0x10, v1  }
0x228: {  	v15 =	vld [tilespmem:s21+$0x20];
	vm2 =	vgt.f32 v9, v4;
	v11 =	vadd.s32 v6, v11;
	v6 =	vsel vm1, $0x10, v1  }
0x229: {  	vm4 =	vgt.f32 v13, v4;
	v14 =	vadd.s32 v11, v6;
	v6 =	vsel vm2, $0x10, v1  }
0x22a: {  	vm0 =	vgt.f32 v17, v4;
	v18 =	vadd.s32 v14, v6;
	v6 =	vsel vm4, $0x10, v1  }
0x22b: {  	v16 =	vld [tilespmem:s21+$0x30];
	vm7 =	vgt.f32 v25, v4;
	v19 =	vadd.s32 v18, v6;
	v6 =	vsel vm0, $0x10, v1  }
0x22c: {  	v20 =	vadd.s32 v19, v6;
	v6 =	vsel vm7, $0x10, v1  }
0x22d: {  	vm6 =	vgt.f32 v15, v4;
	v6 =	vadd.s32 v20, v6  }
0x22e: {  	s21 =	simm.s32 $0x80C0;
	v24 =	vor.u32 v0, v6  }
0x22f: {  	v12 =	vld [tilespmem:s21+$0xFFFFFFC0];
	v21 =	vsel vm6, $0x10, v1  }
0x230: {  	vm8 =	vgt.f32 v16, v4;
	v27 =	vor.u32 v0, v20;
	v21 =	vadd.s32 v6, v21;
	v6 =	vld [tilespmem:s21+$0xFFFFFFD0]  }
0x231: {  	[tilespmem:v10+s16+$0x0] =	vst.idx.msk vm3, v8;
	v10 =	vsel vm8, $0x10, v1;
	v8 =	vld [tilespmem:s21+$0xFFFFFFE0];
	v26 =	vor.u32 v0, v21  }
0x232: {  	vm5 =	vmmov vm4;
	v23 =	vor.u32 v0, v19;
	v28 =	vadd.s32 v21, v10;
	v10 =	vld [tilespmem:s21+$0xFFFFFFF0]  }
0x233: {  	v22 =	vor.u32 v0, v18;
	v21 =	vor.u32 v0, v11;
	v11 =	vld [tilespmem:s21+$0x0];
	[tilespmem:v24+s16+$0x0] =	vst.idx.msk vm6, v15;
	vm6 =	vmmov vm2  }
0x234: {  	vm4 =	vmmov vm1;
	vm3 =	vgt.f32 v12, v4;
	v20 =	vor.u32 v0, v14;
	v14 =	vld [tilespmem:s21+$0x10]  }
0x235: {  	v18 =	vsel vm3, $0x10, v1;
	v19 =	vor.u32 v0, v28;
	[tilespmem:v27+s16+$0x0] =	vst.idx.msk vm7, v25;
	vm1 =	vgt.f32 v6, v4;
	v15 =	vld [tilespmem:s21+$0x20]  }
0x236: {  	s22 =	simm.s32 $0x80;
	v18 =	vadd.s32 v28, v18;
	vm2 =	vgt.f32 v8, v4;
	[tilespmem:v26+s16+$0x0] =	vst.idx.msk vm8, v16;
	v24 =	vsel vm1, $0x10, v1;
	v16 =	vld [tilespmem:s21+$0x30]  }
.LBB2_55:
0x237: {  	s22 =	sadd.s32 $0x80, s22;
	v24 =	vadd.s32 v18, v24;
	v25 =	vsel vm2, $0x10, v1;
	vm8 =	vgt.f32 v10, v4;
	[tilespmem:v23+s16+$0x0] =	vst.idx.msk vm0, v17  }
0x238: {  	p0 =	slt.u32 s22, $0x7F80;
	v17 =	vadd.s32 v24, v25;
	v23 =	vsel vm8, $0x10, v1;
	vm0 =	vgt.f32 v11, v4;
	[tilespmem:v22+s16+$0x0] =	vst.idx.msk vm5, v13  }
0x239: {  	v23 =	vadd.s32 v17, v23;
	v13 =	vsel vm0, $0x10, v1;
	vm7 =	vgt.f32 v14, v4;
	[tilespmem:v20+s16+$0x0] =	vst.idx.msk vm6, v9  }
0x23a: {  	v13 =	vadd.s32 v23, v13;
	v26 =	vsel vm7, $0x10, v1;
	vm9 =	vgt.f32 v15, v4;
	[tilespmem:v21+s16+$0x0] =	vst.idx.msk vm4, v7  }
0x23b: {  	s21 =	sadd.s32 $0x80, s21;
	[tilespmem:v19+s16+$0x0] =	vst.idx.msk vm3, v12;
	v21 =	vadd.s32 v13, v26;
	v22 =	vsel vm9, $0x10, v1;
	vm10 =	vgt.f32 v16, v4  }
0x23c: {  	v9 =	vmovc v8;
	v7 =	vmovc v6;
	v12 =	vld [tilespmem:s21+$0xFFFFFFC0];
	v25 =	vor.u32 v0, v21;
	v19 =	vadd.s32 v21, v22;
	v20 =	vsel vm10, $0x10, v1  }
0x23d: {  	v26 =	vor.u32 v0, v13;
	v6 =	vld [tilespmem:s21+$0xFFFFFFD0];
	v27 =	vor.u32 v0, v19;
	v28 =	vadd.s32 v19, v20;
	v13 =	vmovc v10  }
0x23e: {  	v23 =	vor.u32 v0, v23;
	v22 =	vor.u32 v0, v17;
	v17 =	vmovc v11;
	v20 =	vor.u32 v0, v24;
	v8 =	vld [tilespmem:s21+$0xFFFFFFE0]  }
.Ltmp37:
0x23f: {  	vm5 =	vmmov vm8;
	v29 =	vmovc v14;
	v21 =	vor.u32 v0, v18;
	v19 =	vor.u32 v0, v28;
	v10 =	vld [tilespmem:s21+$0xFFFFFFF0];
	(pc) =	sbr.rel @p0 .LBB2_55-.Ltmp37, $4  }
0x240: {  	vm6 =	vmmov vm2;
	vm4 =	vmmov vm1;
	v11 =	vld [tilespmem:s21+$0x0]  }
0x241: {  	vm3 =	vgt.f32 v12, v4;
	v14 =	vld [tilespmem:s21+$0x10];
	[tilespmem:v25+s16+$0x0] =	vst.idx.msk vm9, v15  }
0x242: {  	v18 =	vsel vm3, $0x10, v1;
	vm1 =	vgt.f32 v6, v4;
	v15 =	vld [tilespmem:s21+$0x20];
	[tilespmem:v27+s16+$0x0] =	vst.idx.msk vm10, v16  }
0x243: {  	v18 =	vadd.s32 v28, v18;
	v24 =	vsel vm1, $0x10, v1;
	vm2 =	vgt.f32 v8, v4;
	v16 =	vld [tilespmem:s21+$0x30];
	[tilespmem:v26+s16+$0x0] =	vst.idx.msk vm7, v29  }
0x244: {  	v25 =	vadd.s32 v18, v24;
	v24 =	vsel vm2, $0x10, v1;
	vm9 =	vgt.f32 v10, v4  }
0x245: {  	v26 =	vadd.s32 v25, v24;
	v24 =	vsel vm9, $0x10, v1;
	vm7 =	vgt.f32 v11, v4  }
0x246: {  	v27 =	vadd.s32 v26, v24;
	v24 =	vsel vm7, $0x10, v1;
	vm8 =	vgt.f32 v14, v4  }
0x247: {  	v28 =	vadd.s32 v27, v24;
	v24 =	vsel vm8, $0x10, v1;
	vm10 =	vgt.f32 v15, v4  }
0x248: {  	v29 =	vadd.s32 v28, v24;
	v24 =	vsel vm10, $0x10, v1;
	vm11 =	vgt.f32 v16, v4  }
0x249: {  	v30 =	vadd.s32 v29, v24;
	v24 =	vsel vm11, $0x10, v1  }
0x24a: {  	v24 =	vadd.s32 v30, v24  }
0x24b: {  	v31 =	vxor.u32 $0x80000000, v24  }
0x24c: {  	(xrf0) =	vmax.scan.msk.u32 $0xffff, v31;
	_ =	sdelay $0x5  }
0x24d: {  	v31, _, _ =	vpop (xrf0)  }
0x24e: {  	(v2sf) =	vpush v31, $0xF;
	_ =	sdelay $0xe  }
0x24f: {  	s21 =	spop (v2sf)  }
0x250: {  	vm15 =	vmmov vm2;
	s22 =	sxor.u32 $0x80000000, s21  }
0x251: {  	[tilespmem:v23+s16+$0x0] =	vst.idx.msk vm0, v17;
	vm1 =	vmmov vm1;
	v62 =	vor.u32 v0, v25;
	p1 =	sgt.s32 s21, $0xFFFFFFFF;
	s21 =	sand.u32 $0xF, s21;
	p0 =	slt.s32 s22, $0x1  }
0x252: {  	[tilespmem:v22+s16+$0x0] =	vst.idx.msk vm5, v13;
	v63 =	vor.u32 v0, v18;
	s23 =	sshra.s32 s22, $0x1F;
	p6 =	sne.s32 s21, $0x0;
	p0 =	por p1, p0  }
0x253: {  	[tilespmem:v20+s16+$0x0] =	vst.idx.msk vm6, v9;
	v61 =	vor.u32 v0, v26;
	s31 =	sshrl.u32 s23, $0x1C;
	p0 =	por !p6, !p0  }
0x254: {  	[tilespmem:v21+s16+$0x0] =	vst.idx.msk vm4, v7;
	v7 =	vor.u32 v0, v27;
	s21 =	sadd.s32 s31, s22;
	s22 =	simm.s32 $0x1;
	p0 =	por !p0, !p0  }
0x255: {  	[tilespmem:v19+s16+$0x0] =	vst.idx.msk vm3, v12;
	v60 =	vor.u32 v0, v28;
	s21 =	sshra.s32 s21, $0x4;
	s22 =	simm.s32 @!p0 $0x0  }
0x256: {  	v58 =	vor.u32 v0, v29;
	[tilespmem:v62+s16+$0x0] =	vst.idx.msk vm15, v8;
	s21 =	ssub.s32 s21, s22  }
0x257: {  	v59 =	vor.u32 v0, v30;
	[tilespmem:v63+s16+$0x0] =	vst.idx.msk vm1, v6;
	p0 =	slt.s32 s21, $0x1  }
.Ltmp38:
0x258: {  	[tilespmem:v61+s16+$0x0] =	vst.idx.msk vm9, v10;
	(pc) =	sbr.rel @p0 .LBB2_60-.Ltmp38, $4  }
0x259: {  	[tilespmem:v7+s16+$0x0] =	vst.idx.msk vm7, v11  }
0x25a: {  	[tilespmem:v60+s16+$0x0] =	vst.idx.msk vm8, v14  }
0x25b: {  	[tilespmem:v58+s16+$0x0] =	vst.idx.msk vm10, v15  }
0x25c: {  	vm14 =	vmmov vm9;
	[tilespmem:v59+s16+$0x0] =	vst.idx.msk vm11, v16;
	s23 =	simm.s32 $0x0  }
0x25d: {  	p1 =	sne.s32 s21, $0x1;
	vm0 =	vle.s32 v24, s23  }
.Ltmp39:
0x25e: {  	v6 =	vor.u32 s23, v0;
	(pc) =	sbr.rel @!p1 .LBB2_59-.Ltmp39, $2  }
0x25f: {  	_ =	sdelay $0x2  }
0x260: {  	s22 =	sadd.s32 $0xFFFFFFFF, s21;
	s23 =	sadd.s32 $0x10, s23  }
.LBB2_58:
0x261: {  	p1 =	sne.s32 s22, $0x1;
	s22 =	sadd.s32 $0xFFFFFFFF, s22;
	[tilespmem:v6+s16+$0x0] =	vst.idx.msk vm0, v2;
	vm0 =	vle.s32 v24, s23  }
.Ltmp40:
0x262: {  	v6 =	vor.u32 s23, v0;
	(pc) =	sbr.rel @p1 .LBB2_58-.Ltmp40, $2  }
0x263: {  	_ =	sdelay $0x2  }
0x264: {  	s23 =	sadd.s32 $0x10, s23  }
.LBB2_59:
0x265: {  	_ =	sdelay $0x4  }
0x266: {  	[tilespmem:v6+s16+$0x0] =	vst.idx.msk vm0, v2  }
.LBB2_60:
.Ltmp41:
0x267: {  	(pc) =	sbr.rel .LBB2_61-.Ltmp41, $2  }
0x268: {  	_ =	sdelay $0x2  }
0x269: {  	v5 =	vbroadcast v5, $0xF;
	s22 =	simm.s32 $0x0;
	v6 =	vmov v4;
	v7 =	vmov v4  }
.LBB2_62:
0x26a: {  	v9 =	vimm.f32 $0.0e+00  }
.LBB2_66:
0x26b: {  	(xrf2) =	vadd.scan.msk.f32 $0xffff, v8  }
0x26c: {  	(xrf2) =	vadd.scan.msk.f32 $0xffff, v9;
	_ =	sdelay $0x8  }
0x26d: {  	v8, _, _ =	vpop (xrf2)  }
0x26e: {  	(v2sf) =	vpush v8, $0xF;
	v8, _, _ =	vpop (xrf2)  }
0x26f: {  	(v2sf) =	vpush v8, $0xF;
	_ =	sdelay $0xd  }
0x270: {  	s23 =	spop (v2sf)  }
0x271: {  	s24 =	spop (v2sf)  }
0x272: {  	s24 =	smax.f32 s24, $1.000000000e+00  }
0x273: {  	v8 =	vmov s24  }
0x274: {  	(erf) = vrcp.f32 v8;
	_ =	sdelay $0x6  }
0x275: {  	s23 =	sadd.f32 $-1.000000000e+00, s23;
	_ =	sdelay $0x1  }
0x276: {  	v8 =	vmov s23;
	v63 =	vpop (erf)  }
0x277: {  	s22 =	sadd.s32 $0x1, s22;
	vm0 =	vge.f32 v8, $0.0e+00;
	v9 =	vmul.f32 s23, v63  }
0x278: {  	p1 =	sne.s32 s22, $0xC;
	v6 =	vsel vm0, v7, v6;
	v5 =	vsel vm0, v5, v7  }
.Ltmp42:
0x279: {  	v8 =	vadd.f32 v5, v6;
	v7 =	vadd.f32 v9, v7;
	(pc) =	sbr.rel @!p1 .LBB2_67-.Ltmp42, $4  }
0x27a: {  	_ = 	snop  }
0x27b: {  	v8 =	vmul.f32 $5.000000000e-01, v8;
	vm1 =	vgt.f32 v7, v6;
	vm2 =	vlt.f32 v7, v5  }
0x27c: {  	vm1 =	vmand vm1, vm2  }
0x27d: {  	v4 =	vsel vm0, v7, v4;
	v7 =	vsel vm1, v7, v8  }
.LBB2_61:
.Ltmp43:
0x27e: {  	(pc) =	sbr.rel @p0 .LBB2_62-.Ltmp43, $2  }
0x27f: {  	_ =	sdelay $0x2  }
0x280: {  	v8 =	vimm.f32 $0.0e+00;
	s24 =	simm.s32 $0x10000  }
0x281: {  	v9 =	vld [tilespmem:s24+$0x0];
	p1 =	sne.s32 s21, $0x1  }
.Ltmp44:
0x282: {  	_ = 	snop;
	(pc) =	sbr.rel @!p1 .LBB2_65-.Ltmp44, $2  }
0x283: {  	_ =	sdelay $0x2  }
0x284: {  	s23 =	sadd.s32 $0xFFFFFFFF, s21;
	s24 =	sadd.s32 $0x10, s24;
	v10 =	vsub.f32 v9, v7;
	v9 =	vimm.f32 $0.0e+00  }
.LBB2_64:
0x285: {  	v11 =	vld [tilespmem:s24+$0x0];
	p1 =	sne.s32 s23, $0x1;
	s23 =	sadd.s32 $0xFFFFFFFF, s23  }
.Ltmp45:
0x286: {  	vm0 =	vgt.f32 v10, $0.0e+00;
	v10 =	vmax.f32 v10, $0.0e+00;
	(pc) =	sbr.rel @p1 .LBB2_64-.Ltmp45, $3  }
0x287: {  	v8 =	vadd.f32 v10, v8;
	v10 =	vsel vm0, $0x3F800000, v3  }
0x288: {  	v9 =	vadd.f32 v10, v9;
	_ =	sdelay $0x1  }
0x289: {  	s24 =	sadd.s32 $0x10, s24;
	v10 =	vsub.f32 v11, v7  }
.LBB2_65:
.Ltmp46:
0x28a: {  	(pc) =	sbr.rel .LBB2_66-.Ltmp46, $4  }
0x28b: {  	_ = 	snop  }
0x28c: {  	vm0 =	vgt.f32 v10, $0.0e+00;
	v10 =	vmax.f32 v10, $0.0e+00  }
0x28d: {  	v11 =	vsel vm0, $0x3F800000, v3;
	v8 =	vadd.f32 v10, v8  }
0x28e: {  	v9 =	vadd.f32 v11, v9  }
.LBB2_67:
0x28f: {  	s21 =	simm.s32 $0x8040  }
0x290: {  	v6 =	vld [tilespmem:s21+$0x30]  }
0x291: {  	v8 =	vld [tilespmem:s21+$0xFFFFFFD0]  }
0x292: {  	v10 =	vld [tilespmem:s21+$0xFFFFFFE0]  }
0x293: {  	v9 =	vld [tilespmem:s21+$0xFFFFFFF0]  }
0x294: {  	v7 =	vld [tilespmem:s21+$0x0]  }
0x295: {  	v5 =	vld [tilespmem:s21+$0x10];
	v12 =	vsub.f32 v6, v4  }
0x296: {  	v6 =	vld [tilespmem:s21+$0x20];
	v11 =	vsub.f32 v8, v4  }
0x297: {  	s22 =	simm.s32 $0x0;
	s23 =	simm.s32 $0x80C0;
	v8 =	vld [tilespmem:s21+$0xFFFFFFC0];
	v10 =	vsub.f32 v10, v4;
	v12 =	vmax.f32 v12, $0.0e+00  }
.LBB2_68:
0x298: {  	v13 =	vld [tilespmem:s23+$0x30];
	s22 =	sadd.s32 $0x80, s22;
	v11 =	vmax.f32 v11, $0.0e+00;
	v9 =	vsub.f32 v9, v4;
	[tilespmem:s21+$0x30] =	vst v12  }
0x299: {  	v12 =	vld [tilespmem:s23+$0xFFFFFFD0];
	p0 =	slt.u32 s22, $0x7F80;
	[tilespmem:s21+$0xFFFFFFD0] =	vst v11;
	v10 =	vmax.f32 v10, $0.0e+00;
	v7 =	vsub.f32 v7, v4  }
0x29a: {  	v14 =	vld [tilespmem:s23+$0xFFFFFFE0];
	[tilespmem:s21+$0xFFFFFFE0] =	vst v10;
	v10 =	vmax.f32 v9, $0.0e+00;
	v5 =	vsub.f32 v5, v4  }
.Ltmp47:
0x29b: {  	v9 =	vld [tilespmem:s23+$0xFFFFFFF0];
	[tilespmem:s21+$0xFFFFFFF0] =	vst v10;
	v10 =	vmax.f32 v7, $0.0e+00;
	v6 =	vsub.f32 v6, v4;
	(pc) =	sbr.rel @p0 .LBB2_68-.Ltmp47, $4  }
0x29c: {  	v7 =	vld [tilespmem:s23+$0x0];
	v8 =	vsub.f32 v8, v4;
	[tilespmem:s21+$0x0] =	vst v10;
	v10 =	vmax.f32 v5, $0.0e+00  }
0x29d: {  	v5 =	vld [tilespmem:s23+$0x10];
	v13 =	vsub.f32 v13, v4;
	[tilespmem:s21+$0x10] =	vst v10;
	v10 =	vmax.f32 v6, $0.0e+00  }
0x29e: {  	v11 =	vsub.f32 v12, v4;
	v6 =	vld [tilespmem:s23+$0x20];
	v15 =	vmax.f32 v8, $0.0e+00;
	[tilespmem:s21+$0x20] =	vst v10  }
0x29f: {  	v8 =	vld [tilespmem:s23+$0xFFFFFFC0];
	v10 =	vsub.f32 v14, v4;
	v12 =	vmax.f32 v13, $0.0e+00;
	[tilespmem:s21+$0xFFFFFFC0] =	vst v15;
	s21 =	smov.u32 s23;
	s23 =	sadd.s32 $0x80, s23  }
0x2a0: {  	v11 =	vmax.f32 v11, $0.0e+00;
	v9 =	vsub.f32 v9, v4;
	[tilespmem:s21+$0x30] =	vst v12  }
0x2a1: {  	[tilespmem:s21+$0xFFFFFFD0] =	vst v11;
	v10 =	vmax.f32 v10, $0.0e+00;
	v7 =	vsub.f32 v7, v4  }
0x2a2: {  	[tilespmem:s21+$0xFFFFFFE0] =	vst v10;
	v9 =	vmax.f32 v9, $0.0e+00;
	v5 =	vsub.f32 v5, v4  }
0x2a3: {  	[tilespmem:s21+$0xFFFFFFF0] =	vst v9;
	v7 =	vmax.f32 v7, $0.0e+00;
	v6 =	vsub.f32 v6, v4  }
0x2a4: {  	v4 =	vsub.f32 v8, v4;
	[tilespmem:s21+$0x0] =	vst v7;
	v5 =	vmax.f32 v5, $0.0e+00  }
0x2a5: {  	[tilespmem:s21+$0x10] =	vst v5;
	v5 =	vmax.f32 v6, $0.0e+00  }
0x2a6: {  	v4 =	vmax.f32 v4, $0.0e+00;
	[tilespmem:s21+$0x20] =	vst v5  }
0x2a7: {  	s20 =	sadd.s32 $0x1, s20;
	[tilespmem:s21+$0xFFFFFFC0] =	vst v4  }
0x2a8: {  	[hbm4b:s10+s12] =	stream.strided.scatter [tilespmem:s14], [sflag:$0x4], $0x8000, s13, s12, $0x38;
	[tilespmem:$0x18000] =	vst v63  }
0x2a9: {  	p0 =	sne.s32 s20, s11;
	_ =	swait.ge [sflag:s17], $0x8000  }
.Ltmp48:
0x2aa: {  	[sflag:s17] =	ssyncset.done $0x0;
	(pc) =	sbr.rel @p0 .LBB2_1-.Ltmp48, $4  }
0x2ab: {  	[sflag:s17] =	ssyncadd.s32 $0xFFFF8000  }
0x2ac: {  	_ =	swait.ge [sflag:s19], $0x8000  }
0x2ad: {  	[sflag:s19] =	ssyncset.done $0x0  }
0x2ae: {  	[sflag:s19] =	ssyncadd.s32 $0xFFFF8000  }
0x2af: {  	_ =	sfence.sel $0x180000  }
0x2b0: {  	[bflag:$0x0] =	sbarrier.arrive $0xFFFF  }
0x2b1: {  	p0 =	sne.s32 s1, $0x0;
	_ =	strace $0x90000047  }
0x2b2: {  	s0 =	sadd.s32 @!p0 $0x100000, s0;
	[bflag:$0x2] =	sbarrier.arrive $0xFFFF  }
0x2b3: {  	[sflag:s0] =	ssyncadd.tile.s32 @!p0 $0x1;
	_ =	shalt  }
.Lfunc_end2:
_tile_overlayer_lowered:
.L_overlay_start_2:
0x2b4: {  	(tag) =	ssettag $0x2  }
0x2b5: {  	s0 =	rddreg [dreg:$0x0];
	s2 =	stileid.u32  }
0x2b6: {  	s1 =	rddreg [dreg:$0x1];
	p0 =	sne.s32 s2, $0x0  }
0x2b7: {  	s3 =	rddreg [dreg:$0x2];
	[bflag:$0x3] =	sbarrier.arrive $0xFFFF;
	s2 =	simm.s32 @!p0 $0x1C05  }
0x2b8: {  	[timem:s3], [sflag:s2] =	dma.local @!p0 [hbm:s0], s1  }
0x2b9: {  	s0 =	simm.s32 @!p0 $0x5  }
0x2ba: {  	_ =	swait.ge @!p0 [sflag:s0], s1  }
0x2bb: {  	s1 =	ssub.s32 @!p0 $0x0, s1;
	[sflag:s0] =	ssyncset.done @!p0 $0x0  }
0x2bc: {  	[sflag:s0] =	ssyncadd.s32 @!p0 s1  }
0x2bd: {  	[bflag:$0x3] =	sbarrier.arrive $0xFFFF  }
0x2be: {  	_ =	shalt  }

</sc_bundles>
